<compile_context>
chip_gen: v7x
topology: tpu7x:2x2x1
jax: 0.10.2.dev20260603
libtpu: 0.0.44.dev20260713+nightly
codegen_flags: <defaults>
</compile_context>

<pallas_src>
import functools

import jax
import jax.numpy as jnp
from jax import lax
from jax.experimental import pallas as pl
from jax.experimental.pallas import tpu as pltpu
from jax.experimental.pallas import tpu_sc as plsc

N = 50000
E = 1600000
NS = 16
NC = 2
ROWS_PER_SUB = N // NS
DEG_CHUNK = 1000
SEG_CHUNK = 200
BN = 2000
GRID_N = N // BN

_sc_mesh = functools.partial(
    plsc.VectorSubcoreMesh, core_axis_name="c", subcore_axis_name="s",
    num_cores=NC, num_subcores=NS)


@functools.cache
def _deg_kernel_built():
    return functools.partial(
        pl.kernel,
        out_type=jax.ShapeDtypeStruct((NC, N, 16), jnp.float32),
        mesh=_sc_mesh(),
        scratch_types=[
            pltpu.VMEM_SHARED((N, 16), jnp.float32),
            pltpu.VMEM((DEG_CHUNK,), jnp.int32),
            pltpu.VMEM((DEG_CHUNK,), jnp.int32),
            pltpu.VMEM((DEG_CHUNK, 16), jnp.float32),
            pltpu.SemaphoreType.DMA,
            pltpu.SemaphoreType.DMA,
            pltpu.SemaphoreType.DMA,
            pltpu.SemaphoreType.DMA,
        ],
        compiler_params=pltpu.CompilerParams(use_tc_tiling_on_sc=False),
    )(_deg_body)


def _deg_body(col_hbm, zeros_hbm, ones_hbm, out_hbm, acc_sh,
              col_a, col_b, ones_v, cs_a, cs_b, ss_a, ss_b):
    c = lax.axis_index("c")
    s = lax.axis_index("s")
    w = c * NS + s
    r0 = s * ROWS_PER_SUB
    pltpu.sync_copy(ones_hbm, ones_v)
    pltpu.sync_copy(zeros_hbm.at[pl.ds(r0, ROWS_PER_SUB)],
                    acc_sh.at[pl.ds(r0, ROWS_PER_SUB)])
    plsc.subcore_barrier()

    edges_per_worker = E // (NC * NS)
    n_pairs = edges_per_worker // (2 * DEG_CHUNK)
    base0 = w * edges_per_worker

    def issue_idx(chunk_a_base):
        pltpu.async_copy(col_hbm.at[pl.ds(chunk_a_base, DEG_CHUNK)], col_a, cs_a)
        pltpu.async_copy(
            col_hbm.at[pl.ds(chunk_a_base + DEG_CHUNK, DEG_CHUNK)], col_b, cs_b)

    issue_idx(base0)

    def body(j, carry):
        base = base0 + j * 2 * DEG_CHUNK
        pltpu.make_async_copy(col_hbm.at[pl.ds(0, DEG_CHUNK)], col_a, cs_a).wait()
        sa = pltpu.async_copy(ones_v, acc_sh.at[col_a], ss_a, add=True)
        pltpu.make_async_copy(col_hbm.at[pl.ds(0, DEG_CHUNK)], col_b, cs_b).wait()
        sb = pltpu.async_copy(ones_v, acc_sh.at[col_b], ss_b, add=True)
        sa.wait()
        sb.wait()

        @pl.when(j < n_pairs - 1)
        def _():
            issue_idx(base + 2 * DEG_CHUNK)

        return carry

    lax.fori_loop(0, n_pairs, body, 0)
    plsc.subcore_barrier()
    pltpu.sync_copy(acc_sh.at[pl.ds(r0, ROWS_PER_SUB)],
                    out_hbm.at[c, pl.ds(r0, ROWS_PER_SUB)])


@functools.cache
def _seg_kernel_built():
    return functools.partial(
        pl.kernel,
        out_type=jax.ShapeDtypeStruct((NC, N, 32), jnp.float32),
        mesh=_sc_mesh(),
        scratch_types=[
            pltpu.VMEM_SHARED((N, 32), jnp.float32),
            pltpu.VMEM((SEG_CHUNK,), jnp.int32),
            pltpu.VMEM((SEG_CHUNK,), jnp.int32),
            pltpu.VMEM((SEG_CHUNK,), jnp.int32),
            pltpu.VMEM((SEG_CHUNK,), jnp.int32),
            pltpu.VMEM((SEG_CHUNK, 32), jnp.float32),
            pltpu.VMEM((SEG_CHUNK, 32), jnp.float32),
            pltpu.SemaphoreType.DMA,
            pltpu.SemaphoreType.DMA,
            pltpu.SemaphoreType.DMA,
            pltpu.SemaphoreType.DMA,
            pltpu.SemaphoreType.DMA,
            pltpu.SemaphoreType.DMA,
            pltpu.SemaphoreType.DMA,
            pltpu.SemaphoreType.DMA,
        ],
        compiler_params=pltpu.CompilerParams(use_tc_tiling_on_sc=False),
    )(_seg_body)


def _seg_body(y_hbm, row_hbm, col_hbm, zeros_hbm, out_hbm, acc_sh,
              row_a, row_b, col_a, col_b, upd_a, upd_b,
              rs_a, rs_b, cs_a, cs_b, gs_a, gs_b, ss_a, ss_b):
    c = lax.axis_index("c")
    s = lax.axis_index("s")
    r0 = s * ROWS_PER_SUB
    pltpu.sync_copy(zeros_hbm.at[pl.ds(r0, ROWS_PER_SUB)],
                    acc_sh.at[pl.ds(r0, ROWS_PER_SUB)])
    plsc.subcore_barrier()

    edges_per_sub = E // (NC * NS)
    n_pairs = edges_per_sub // (2 * SEG_CHUNK)
    base0 = (c * NS + s) * edges_per_sub

    def issue_idx(chunk_a_base):
        pltpu.async_copy(row_hbm.at[pl.ds(chunk_a_base, SEG_CHUNK)], row_a, rs_a)
        pltpu.async_copy(col_hbm.at[pl.ds(chunk_a_base, SEG_CHUNK)], col_a, cs_a)
        pltpu.async_copy(
            row_hbm.at[pl.ds(chunk_a_base + SEG_CHUNK, SEG_CHUNK)], row_b, rs_b)
        pltpu.async_copy(
            col_hbm.at[pl.ds(chunk_a_base + SEG_CHUNK, SEG_CHUNK)], col_b, cs_b)

    issue_idx(base0)

    def body(j, carry):
        base = base0 + j * 2 * SEG_CHUNK
        pltpu.make_async_copy(row_hbm.at[pl.ds(0, SEG_CHUNK)], row_a, rs_a).wait()
        pltpu.make_async_copy(col_hbm.at[pl.ds(0, SEG_CHUNK)], col_a, cs_a).wait()
        ga = pltpu.async_copy(y_hbm.at[row_a], upd_a, gs_a)
        pltpu.make_async_copy(row_hbm.at[pl.ds(0, SEG_CHUNK)], row_b, rs_b).wait()
        pltpu.make_async_copy(col_hbm.at[pl.ds(0, SEG_CHUNK)], col_b, cs_b).wait()
        gb = pltpu.async_copy(y_hbm.at[row_b], upd_b, gs_b)
        ga.wait()
        sa = pltpu.async_copy(upd_a, acc_sh.at[col_a], ss_a, add=True)
        gb.wait()
        sb = pltpu.async_copy(upd_b, acc_sh.at[col_b], ss_b, add=True)
        sa.wait()
        sb.wait()

        @pl.when(j < n_pairs - 1)
        def _():
            issue_idx(base + 2 * SEG_CHUNK)

        return carry

    lax.fori_loop(0, n_pairs, body, 0)
    plsc.subcore_barrier()
    pltpu.sync_copy(acc_sh.at[pl.ds(r0, ROWS_PER_SUB)],
                    out_hbm.at[c, pl.ds(r0, ROWS_PER_SUB)])


def _t1_body(degp_ref, x_ref, w1_ref, dis_ref, y_ref):
    deg = degp_ref[0][:, 0:1] + degp_ref[1][:, 0:1]
    dis = jnp.where(deg > 0.0, lax.rsqrt(deg), 0.0)
    x = x_ref[...]
    w1 = w1_ref[...]
    xw = (x[:, 0:1] * w1[0:1, :]
          + x[:, 1:2] * w1[1:2, :]
          + x[:, 2:3] * w1[2:3, :])
    dis_ref[...] = dis
    y_ref[...] = xw * dis


def _t1(degp, x, W1):
    return pl.pallas_call(
        _t1_body,
        grid=(GRID_N,),
        in_specs=[
            pl.BlockSpec((NC, BN, 16), lambda i: (0, i, 0)),
            pl.BlockSpec((BN, 3), lambda i: (i, 0)),
            pl.BlockSpec((3, 32), lambda i: (0, 0)),
        ],
        out_specs=[
            pl.BlockSpec((BN, 1), lambda i: (i, 0)),
            pl.BlockSpec((BN, 32), lambda i: (i, 0)),
        ],
        out_shape=[
            jax.ShapeDtypeStruct((N, 1), jnp.float32),
            jax.ShapeDtypeStruct((N, 32), jnp.float32),
        ],
    )(degp, x, W1)


def _t2_body(s_ref, dis_ref, b1_ref, w2_ref, y_ref):
    sfull = s_ref[0] + s_ref[1]
    dis = dis_ref[...]
    h = jnp.maximum(sfull * dis + b1_ref[...], 0.0)
    y_ref[...] = jnp.dot(h, w2_ref[...], preferred_element_type=jnp.float32,
                         precision=lax.Precision.HIGHEST) * dis


def _t2(s1, dis, b1, W2):
    return pl.pallas_call(
        _t2_body,
        grid=(GRID_N,),
        in_specs=[
            pl.BlockSpec((NC, BN, 32), lambda i: (0, i, 0)),
            pl.BlockSpec((BN, 1), lambda i: (i, 0)),
            pl.BlockSpec((1, 32), lambda i: (0, 0)),
            pl.BlockSpec((32, 32), lambda i: (0, 0)),
        ],
        out_specs=[pl.BlockSpec((BN, 32), lambda i: (i, 0))],
        out_shape=[jax.ShapeDtypeStruct((N, 32), jnp.float32)],
    )(s1, dis, b1, W2)[0]


def _t3_body(s_ref, dis_ref, b2_ref, wc_ref, bc_ref, wf_ref, bf_ref,
             wa_ref, ba_ref, chase_ref, flee_ref, act_ref):
    i = pl.program_id(0)
    sfull = s_ref[0] + s_ref[1]
    dis = dis_ref[...]
    h = jnp.maximum(sfull * dis + b2_ref[...], 0.0)
    chase_ref[...] = (
        jnp.dot(h, wc_ref[...], preferred_element_type=jnp.float32,
                precision=lax.Precision.HIGHEST)
        + bc_ref[...])
    flee_ref[...] = (
        jnp.dot(h, wf_ref[...], preferred_element_type=jnp.float32,
                precision=lax.Precision.HIGHEST)
        + bf_ref[...])

    @pl.when(i == GRID_N - 1)
    def _():
        act_ref[...] = (
            jnp.dot(h[BN - 1:BN, :], wa_ref[...],
                    preferred_element_type=jnp.float32,
                precision=lax.Precision.HIGHEST) + ba_ref[...])


def _t3(s2, dis, b2, Wc, bc, Wf, bf, Wa, ba):
    return pl.pallas_call(
        _t3_body,
        grid=(GRID_N,),
        in_specs=[
            pl.BlockSpec((NC, BN, 32), lambda i: (0, i, 0)),
            pl.BlockSpec((BN, 1), lambda i: (i, 0)),
            pl.BlockSpec((1, 32), lambda i: (0, 0)),
            pl.BlockSpec((32, 1), lambda i: (0, 0)),
            pl.BlockSpec((1, 1), lambda i: (0, 0)),
            pl.BlockSpec((32, 1), lambda i: (0, 0)),
            pl.BlockSpec((1, 1), lambda i: (0, 0)),
            pl.BlockSpec((32, 8), lambda i: (0, 0)),
            pl.BlockSpec((1, 8), lambda i: (0, 0)),
        ],
        out_specs=[
            pl.BlockSpec((BN, 1), lambda i: (i, 0)),
            pl.BlockSpec((BN, 1), lambda i: (i, 0)),
            pl.BlockSpec((1, 8), lambda i: (0, 0)),
        ],
        out_shape=[
            jax.ShapeDtypeStruct((N, 1), jnp.float32),
            jax.ShapeDtypeStruct((N, 1), jnp.float32),
            jax.ShapeDtypeStruct((1, 8), jnp.float32),
        ],
    )(s2, dis, b2, Wc, bc, Wf, bf, Wa, ba)


def kernel(x, edge_index, W1, b1, W2, b2, Wc, bc, Wf, bf, Wa, ba):
    row = edge_index[0]
    col = edge_index[1]
    zeros_n16 = jnp.zeros((N, 16), jnp.float32)
    zeros_n32 = jnp.zeros((N, 32), jnp.float32)
    ones_chunk = jnp.ones((DEG_CHUNK, 16), jnp.float32)

    degp = _deg_kernel_built()(col, zeros_n16, ones_chunk)
    dis, y1 = _t1(degp, x, W1)
    s1 = _seg_kernel_built()(y1, row, col, zeros_n32)
    y2 = _t2(s1, dis, b1.reshape(1, 32), W2)
    s2 = _seg_kernel_built()(y2, row, col, zeros_n32)
    chase, flee, act = _t3(s2, dis, b2.reshape(1, 32),
                           Wc, bc.reshape(1, 1), Wf, bf.reshape(1, 1),
                           Wa, ba.reshape(1, 8))
    return chase[:, 0], flee[:, 0], act[0]

# --- scband reference (transcript-rebuilt; emitter-appended) ---
"""Pipeline reference for scband-swarm-brain-29532195127335 (READ-ONLY COPY).

The authoritative reference and input builder live on the scoring server;
editing this copy changes nothing except your own understanding.
"""

import jax, jax.numpy as jnp
import numpy as np

N = 50000
E = 1600000
D_IN = 3
D_HID = 32


def setup_inputs(seed: int = 0) -> dict:
    key = jax.random.key(seed)
    ks = jax.random.split(key, 12)
    x = jax.random.normal(ks[0], (N, D_IN), dtype=jnp.float32)
    edge_index = jax.random.randint(ks[1], (2, E), 0, N, dtype=jnp.int32)
    W1 = jax.random.normal(ks[2], (D_IN, D_HID), dtype=jnp.float32) * (1.0 / np.sqrt(D_IN))
    b1 = jnp.zeros((D_HID,), dtype=jnp.float32)
    W2 = jax.random.normal(ks[3], (D_HID, D_HID), dtype=jnp.float32) * (1.0 / np.sqrt(D_HID))
    b2 = jnp.zeros((D_HID,), dtype=jnp.float32)
    Wc = jax.random.normal(ks[4], (D_HID, 1), dtype=jnp.float32) * (1.0 / np.sqrt(D_HID))
    bc = jnp.zeros((1,), dtype=jnp.float32)
    Wf = jax.random.normal(ks[5], (D_HID, 1), dtype=jnp.float32) * (1.0 / np.sqrt(D_HID))
    bf = jnp.zeros((1,), dtype=jnp.float32)
    Wa = jax.random.normal(ks[6], (D_HID, 8), dtype=jnp.float32) * (1.0 / np.sqrt(D_HID))
    ba = jnp.zeros((8,), dtype=jnp.float32)
    return {"x": x, "edge_index": edge_index, "W1": W1, "b1": b1, "W2": W2, "b2": b2,
            "Wc": Wc, "bc": bc, "Wf": Wf, "bf": bf, "Wa": Wa, "ba": ba}


def gcn_conv(x, edge_index, W, b):
    # GCNConv with add_self_loops=False, normalize=True (PyG gcn_norm semantics)
    row = edge_index[0]  # source
    col = edge_index[1]  # target
    n = x.shape[0]
    deg = jnp.zeros((n,), dtype=x.dtype).at[col].add(jnp.ones((row.shape[0],), dtype=x.dtype))
    deg_inv_sqrt = jnp.where(deg > 0, deg ** -0.5, 0.0)
    norm = deg_inv_sqrt[row] * deg_inv_sqrt[col]
    xw = x @ W
    msg = jnp.take(xw, row, axis=0) * norm[:, None]
    out = jnp.zeros((n, xw.shape[1]), dtype=xw.dtype).at[col].add(msg)
    return out + b


def reference(x, edge_index, W1, b1, W2, b2, Wc, bc, Wf, bf, Wa, ba):
    h = jax.nn.relu(gcn_conv(x, edge_index, W1, b1))
    h = jax.nn.relu(gcn_conv(h, edge_index, W2, b2))
    chase_scores = (h @ Wc + bc).squeeze(-1)
    flee_scores = (h @ Wf + bf).squeeze(-1)
    action_logits = h[-1] @ Wa + ba
    return (chase_scores, flee_scores, action_logits)

if __name__ == "__main__":
    import jax
    _d = setup_inputs()
    print(jax.jit(kernel)(*tuple(_d.values())))

</pallas_src>

<mosaic_0001>
#map = affine_map<(d0, d1) -> (0, 0)>
#map1 = affine_map<(d0, d1) -> (0)>
#map2 = affine_map<(d0, d1) -> (0, 0, 0)>
module attributes {stable_mosaic.version = 14 : i64} {
  func.func @_seg_body(%arg0: i32, %arg1: i32, %arg2: memref<50000x32xf32, #tpu.memory_space<hbm>>, %arg3: memref<1600000xi32, #tpu.memory_space<hbm>>, %arg4: memref<1600000xi32, #tpu.memory_space<hbm>>, %arg5: memref<50000x32xf32, #tpu.memory_space<hbm>>, %arg6: memref<2x50000x32xf32, #tpu.memory_space<hbm>>, %arg7: memref<50000x32xf32, #tpu.memory_space<vmem_shared>>, %arg8: memref<200xi32, #tpu.memory_space<vmem>>, %arg9: memref<200xi32, #tpu.memory_space<vmem>>, %arg10: memref<200xi32, #tpu.memory_space<vmem>>, %arg11: memref<200xi32, #tpu.memory_space<vmem>>, %arg12: memref<200x32xf32, #tpu.memory_space<vmem>>, %arg13: memref<200x32xf32, #tpu.memory_space<vmem>>, %arg14: memref<!tpu.dma_semaphore, #tpu.memory_space<semaphore_mem>>, %arg15: memref<!tpu.dma_semaphore, #tpu.memory_space<semaphore_mem>>, %arg16: memref<!tpu.dma_semaphore, #tpu.memory_space<semaphore_mem>>, %arg17: memref<!tpu.dma_semaphore, #tpu.memory_space<semaphore_mem>>, %arg18: memref<!tpu.dma_semaphore, #tpu.memory_space<semaphore_mem>>, %arg19: memref<!tpu.dma_semaphore, #tpu.memory_space<semaphore_mem>>, %arg20: memref<!tpu.dma_semaphore, #tpu.memory_space<semaphore_mem>>, %arg21: memref<!tpu.dma_semaphore, #tpu.memory_space<semaphore_mem>>) attributes {dimension_semantics = [#tpu.dimension_semantics<core_parallel>, #tpu.dimension_semantics<subcore_parallel>], iteration_bounds = array<i64: 2, 16>, scalar_prefetch = 0 : i64, scratch_operands = 15 : i64, tpu.core_type = #tpu.core_type<sc_vector_subcore>, window_params = [{transform_indices = #map}, {transform_indices = #map1}, {transform_indices = #map1}, {transform_indices = #map}, {transform_indices = #map2}]} {
    %mul3A = arith.constant 3125 : i32
    %mul3A_0 = arith.muli %arg1, %mul3A : i32
    "tpu.region"() ({
      %run_scoped3A = tpu.sem_alloc : memref<!tpu.dma_semaphore, #tpu.memory_space<semaphore_mem>>
      %dma_start3A_22 = arith.constant 0 : i32
      %dma_start3A_23 = tpu.memref_slice %arg7[%mul3A_0, %dma_start3A_22] : memref<50000x32xf32, #tpu.memory_space<vmem_shared>> -> memref<3125x32xf32, #tpu.memory_space<vmem_shared>>
      %dma_start3A_24 = arith.constant 0 : i32
      %dma_start3A_25 = tpu.memref_slice %arg5[%mul3A_0, %dma_start3A_24] : memref<50000x32xf32, #tpu.memory_space<hbm>> -> memref<3125x32xf32, #tpu.memory_space<hbm>>
      tpu.enqueue_dma source(%dma_start3A_25 : memref<3125x32xf32, #tpu.memory_space<hbm>>) target(%dma_start3A_23 : memref<3125x32xf32, #tpu.memory_space<vmem_shared>>) target_semaphore(%run_scoped3A : memref<!tpu.dma_semaphore, #tpu.memory_space<semaphore_mem>>)
      %dma_wait3A = arith.constant 0 : i32
      %dma_wait3A_26 = tpu.memref_slice %arg7[%mul3A_0, %dma_wait3A] : memref<50000x32xf32, #tpu.memory_space<vmem_shared>> -> memref<3125x32xf32, #tpu.memory_space<vmem_shared>>
      %dma_wait3A_27 = arith.constant 0 : i32
      %dma_wait3A_28 = tpu.memref_slice %arg5[%mul3A_0, %dma_wait3A_27] : memref<50000x32xf32, #tpu.memory_space<hbm>> -> memref<3125x32xf32, #tpu.memory_space<hbm>>
      tpu.wait_dma2 semaphore(%run_scoped3A : memref<!tpu.dma_semaphore, #tpu.memory_space<semaphore_mem>>) src(%dma_wait3A_28 : memref<3125x32xf32, #tpu.memory_space<hbm>>) dst(%dma_wait3A_26 : memref<3125x32xf32, #tpu.memory_space<vmem_shared>>)
      tpu.yield
    }) : () -> ()
    %barrier3A = arith.constant 0 : index
    tpu.barrier barrier_id(%barrier3A)
    %mul3A_1 = arith.constant 16 : i32
    %mul3A_2 = arith.muli %arg0, %mul3A_1 : i32
    %add3A = arith.addi %mul3A_2, %arg1 : i32
    %mul3A_3 = arith.constant 50000 : i32
    %mul3A_4 = arith.muli %add3A, %mul3A_3 : i32
    %dma_start3A = tpu.memref_slice %arg3[%mul3A_4] : memref<1600000xi32, #tpu.memory_space<hbm>> -> memref<200xi32, #tpu.memory_space<hbm>>
    %dma_start3A_5 = tpu.memref_slice %arg3[%mul3A_4] : memref<1600000xi32, #tpu.memory_space<hbm>> -> memref<200xi32, #tpu.memory_space<hbm>>
    tpu.enqueue_dma source(%dma_start3A_5 : memref<200xi32, #tpu.memory_space<hbm>>) target(%arg8 : memref<200xi32, #tpu.memory_space<vmem>>) target_semaphore(%arg14 : memref<!tpu.dma_semaphore, #tpu.memory_space<semaphore_mem>>)
    %dma_start3A_6 = tpu.memref_slice %arg4[%mul3A_4] : memref<1600000xi32, #tpu.memory_space<hbm>> -> memref<200xi32, #tpu.memory_space<hbm>>
    %dma_start3A_7 = tpu.memref_slice %arg4[%mul3A_4] : memref<1600000xi32, #tpu.memory_space<hbm>> -> memref<200xi32, #tpu.memory_space<hbm>>
    tpu.enqueue_dma source(%dma_start3A_7 : memref<200xi32, #tpu.memory_space<hbm>>) target(%arg10 : memref<200xi32, #tpu.memory_space<vmem>>) target_semaphore(%arg16 : memref<!tpu.dma_semaphore, #tpu.memory_space<semaphore_mem>>)
    %add3A_8 = arith.constant 200 : i32
    %add3A_9 = arith.addi %mul3A_4, %add3A_8 : i32
    %dma_start3A_10 = tpu.memref_slice %arg3[%add3A_9] : memref<1600000xi32, #tpu.memory_space<hbm>> -> memref<200xi32, #tpu.memory_space<hbm>>
    %dma_start3A_11 = tpu.memref_slice %arg3[%add3A_9] : memref<1600000xi32, #tpu.memory_space<hbm>> -> memref<200xi32, #tpu.memory_space<hbm>>
    tpu.enqueue_dma source(%dma_start3A_11 : memref<200xi32, #tpu.memory_space<hbm>>) target(%arg9 : memref<200xi32, #tpu.memory_space<vmem>>) target_semaphore(%arg15 : memref<!tpu.dma_semaphore, #tpu.memory_space<semaphore_mem>>)
    %add3A_12 = arith.constant 200 : i32
    %add3A_13 = arith.addi %mul3A_4, %add3A_12 : i32
    %dma_start3A_14 = tpu.memref_slice %arg4[%add3A_13] : memref<1600000xi32, #tpu.memory_space<hbm>> -> memref<200xi32, #tpu.memory_space<hbm>>
    %dma_start3A_15 = tpu.memref_slice %arg4[%add3A_13] : memref<1600000xi32, #tpu.memory_space<hbm>> -> memref<200xi32, #tpu.memory_space<hbm>>
    tpu.enqueue_dma source(%dma_start3A_15 : memref<200xi32, #tpu.memory_space<hbm>>) target(%arg11 : memref<200xi32, #tpu.memory_space<vmem>>) target_semaphore(%arg17 : memref<!tpu.dma_semaphore, #tpu.memory_space<semaphore_mem>>)
    %scan3A = arith.constant 0 : i32
    %scan3A_16 = arith.constant 0 : i32
    %scan3A_17 = arith.constant 125 : i32
    %scan3A_18 = arith.addi %scan3A_16, %scan3A_17 : i32
    %scan3A_19 = arith.constant 1 : i32
    scf.for %scan3A_22 = %scan3A_16 to %scan3A_18 step %scan3A_19  : i32 {
      %mul3A_23 = arith.constant 2 : i32
      %mul3A_24 = arith.muli %scan3A_22, %mul3A_23 : i32
      %mul3A_25 = arith.constant 200 : i32
      %mul3A_26 = arith.muli %mul3A_24, %mul3A_25 : i32
      %add3A_27 = arith.addi %mul3A_4, %mul3A_26 : i32
      %dma_wait3A = arith.constant 0 : i32
      %dma_wait3A_28 = tpu.memref_slice %arg3[%dma_wait3A] : memref<1600000xi32, #tpu.memory_space<hbm>> -> memref<200xi32, #tpu.memory_space<hbm>>
      %dma_wait3A_29 = arith.constant 0 : i32
      %dma_wait3A_30 = tpu.memref_slice %arg3[%dma_wait3A_29] : memref<1600000xi32, #tpu.memory_space<hbm>> -> memref<200xi32, #tpu.memory_space<hbm>>
      tpu.wait_dma2 semaphore(%arg14 : memref<!tpu.dma_semaphore, #tpu.memory_space<semaphore_mem>>) src(%dma_wait3A_30 : memref<200xi32, #tpu.memory_space<hbm>>) dst(%arg8 : memref<200xi32, #tpu.memory_space<vmem>>)
      %dma_wait3A_31 = arith.constant 0 : i32
      %dma_wait3A_32 = tpu.memref_slice %arg4[%dma_wait3A_31] : memref<1600000xi32, #tpu.memory_space<hbm>> -> memref<200xi32, #tpu.memory_space<hbm>>
      %dma_wait3A_33 = arith.constant 0 : i32
      %dma_wait3A_34 = tpu.memref_slice %arg4[%dma_wait3A_33] : memref<1600000xi32, #tpu.memory_space<hbm>> -> memref<200xi32, #tpu.memory_space<hbm>>
      tpu.wait_dma2 semaphore(%arg16 : memref<!tpu.dma_semaphore, #tpu.memory_space<semaphore_mem>>) src(%dma_wait3A_34 : memref<200xi32, #tpu.memory_space<hbm>>) dst(%arg10 : memref<200xi32, #tpu.memory_space<vmem>>)
      %dma_start3A_35 = arith.constant 0 : i32
      %dma_start3A_36 = arith.constant 0 : i32
      %dma_start3A_37 = tpu.memref_slice %arg2[%dma_start3A_35, %dma_start3A_36] : memref<50000x32xf32, #tpu.memory_space<hbm>> -> memref<50000x32xf32, #tpu.memory_space<hbm>>
      tpu.enqueue_indirect_dma source(%dma_start3A_37 : memref<50000x32xf32, #tpu.memory_space<hbm>>) target(%arg12 : memref<200x32xf32, #tpu.memory_space<vmem>>) offsets(%arg8 : memref<200xi32, #tpu.memory_space<vmem>>) semaphore(%arg18 : memref<!tpu.dma_semaphore, #tpu.memory_space<semaphore_mem>>)
      %dma_wait3A_38 = arith.constant 0 : i32
      %dma_wait3A_39 = tpu.memref_slice %arg3[%dma_wait3A_38] : memref<1600000xi32, #tpu.memory_space<hbm>> -> memref<200xi32, #tpu.memory_space<hbm>>
      %dma_wait3A_40 = arith.constant 0 : i32
      %dma_wait3A_41 = tpu.memref_slice %arg3[%dma_wait3A_40] : memref<1600000xi32, #tpu.memory_space<hbm>> -> memref<200xi32, #tpu.memory_space<hbm>>
      tpu.wait_dma2 semaphore(%arg15 : memref<!tpu.dma_semaphore, #tpu.memory_space<semaphore_mem>>) src(%dma_wait3A_41 : memref<200xi32, #tpu.memory_space<hbm>>) dst(%arg9 : memref<200xi32, #tpu.memory_space<vmem>>)
      %dma_wait3A_42 = arith.constant 0 : i32
      %dma_wait3A_43 = tpu.memref_slice %arg4[%dma_wait3A_42] : memref<1600000xi32, #tpu.memory_space<hbm>> -> memref<200xi32, #tpu.memory_space<hbm>>
      %dma_wait3A_44 = arith.constant 0 : i32
      %dma_wait3A_45 = tpu.memref_slice %arg4[%dma_wait3A_44] : memref<1600000xi32, #tpu.memory_space<hbm>> -> memref<200xi32, #tpu.memory_space<hbm>>
      tpu.wait_dma2 semaphore(%arg17 : memref<!tpu.dma_semaphore, #tpu.memory_space<semaphore_mem>>) src(%dma_wait3A_45 : memref<200xi32, #tpu.memory_space<hbm>>) dst(%arg11 : memref<200xi32, #tpu.memory_space<vmem>>)
      %dma_start3A_46 = arith.constant 0 : i32
      %dma_start3A_47 = arith.constant 0 : i32
      %dma_start3A_48 = tpu.memref_slice %arg2[%dma_start3A_46, %dma_start3A_47] : memref<50000x32xf32, #tpu.memory_space<hbm>> -> memref<50000x32xf32, #tpu.memory_space<hbm>>
      tpu.enqueue_indirect_dma source(%dma_start3A_48 : memref<50000x32xf32, #tpu.memory_space<hbm>>) target(%arg13 : memref<200x32xf32, #tpu.memory_space<vmem>>) offsets(%arg9 : memref<200xi32, #tpu.memory_space<vmem>>) semaphore(%arg19 : memref<!tpu.dma_semaphore, #tpu.memory_space<semaphore_mem>>)
      %dma_wait3A_49 = arith.constant 0 : i32
      %dma_wait3A_50 = arith.constant 0 : i32
      %dma_wait3A_51 = tpu.memref_slice %arg2[%dma_wait3A_49, %dma_wait3A_50] : memref<50000x32xf32, #tpu.memory_space<hbm>> -> memref<50000x32xf32, #tpu.memory_space<hbm>>
      tpu.wait_indirect_dma semaphore(%arg18 : memref<!tpu.dma_semaphore, #tpu.memory_space<semaphore_mem>>) src(%dma_wait3A_51 : memref<50000x32xf32, #tpu.memory_space<hbm>>) dst(%arg12 : memref<200x32xf32, #tpu.memory_space<vmem>>)
      %dma_start3A_52 = arith.constant 0 : i32
      %dma_start3A_53 = arith.constant 0 : i32
      %dma_start3A_54 = tpu.memref_slice %arg7[%dma_start3A_52, %dma_start3A_53] : memref<50000x32xf32, #tpu.memory_space<vmem_shared>> -> memref<50000x32xf32, #tpu.memory_space<vmem_shared>>
      tpu.enqueue_indirect_dma source(%arg12 : memref<200x32xf32, #tpu.memory_space<vmem>>) target(%dma_start3A_54 : memref<50000x32xf32, #tpu.memory_space<vmem_shared>>) offsets(%arg10 : memref<200xi32, #tpu.memory_space<vmem>>) semaphore(%arg20 : memref<!tpu.dma_semaphore, #tpu.memory_space<semaphore_mem>>) {add = true}
      %dma_wait3A_55 = arith.constant 0 : i32
      %dma_wait3A_56 = arith.constant 0 : i32
      %dma_wait3A_57 = tpu.memref_slice %arg2[%dma_wait3A_55, %dma_wait3A_56] : memref<50000x32xf32, #tpu.memory_space<hbm>> -> memref<50000x32xf32, #tpu.memory_space<hbm>>
      tpu.wait_indirect_dma semaphore(%arg19 : memref<!tpu.dma_semaphore, #tpu.memory_space<semaphore_mem>>) src(%dma_wait3A_57 : memref<50000x32xf32, #tpu.memory_space<hbm>>) dst(%arg13 : memref<200x32xf32, #tpu.memory_space<vmem>>)
      %dma_start3A_58 = arith.constant 0 : i32
      %dma_start3A_59 = arith.constant 0 : i32
      %dma_start3A_60 = tpu.memref_slice %arg7[%dma_start3A_58, %dma_start3A_59] : memref<50000x32xf32, #tpu.memory_space<vmem_shared>> -> memref<50000x32xf32, #tpu.memory_space<vmem_shared>>
      tpu.enqueue_indirect_dma source(%arg13 : memref<200x32xf32, #tpu.memory_space<vmem>>) target(%dma_start3A_60 : memref<50000x32xf32, #tpu.memory_space<vmem_shared>>) offsets(%arg11 : memref<200xi32, #tpu.memory_space<vmem>>) semaphore(%arg21 : memref<!tpu.dma_semaphore, #tpu.memory_space<semaphore_mem>>) {add = true}
      %dma_wait3A_61 = arith.constant 0 : i32
      %dma_wait3A_62 = arith.constant 0 : i32
      %dma_wait3A_63 = tpu.memref_slice %arg7[%dma_wait3A_61, %dma_wait3A_62] : memref<50000x32xf32, #tpu.memory_space<vmem_shared>> -> memref<50000x32xf32, #tpu.memory_space<vmem_shared>>
      tpu.wait_indirect_dma semaphore(%arg20 : memref<!tpu.dma_semaphore, #tpu.memory_space<semaphore_mem>>) src(%arg12 : memref<200x32xf32, #tpu.memory_space<vmem>>) dst(%dma_wait3A_63 : memref<50000x32xf32, #tpu.memory_space<vmem_shared>>)
      %dma_wait3A_64 = arith.constant 0 : i32
      %dma_wait3A_65 = arith.constant 0 : i32
      %dma_wait3A_66 = tpu.memref_slice %arg7[%dma_wait3A_64, %dma_wait3A_65] : memref<50000x32xf32, #tpu.memory_space<vmem_shared>> -> memref<50000x32xf32, #tpu.memory_space<vmem_shared>>
      tpu.wait_indirect_dma semaphore(%arg21 : memref<!tpu.dma_semaphore, #tpu.memory_space<semaphore_mem>>) src(%arg13 : memref<200x32xf32, #tpu.memory_space<vmem>>) dst(%dma_wait3A_66 : memref<50000x32xf32, #tpu.memory_space<vmem_shared>>)
      %lt3A = arith.constant 124 : i32
      %lt3A_67 = arith.cmpi slt, %scan3A_22, %lt3A : i32
      %convert_element_type3A = arith.extui %lt3A_67 : i1 to i32
      %cond3A = arith.constant 0 : i32
      %cond3A_68 = arith.cmpi ne, %convert_element_type3A, %cond3A : i32
      scf.if %cond3A_68 {
        %add3A_69 = arith.constant 400 : i32
        %add3A_70 = arith.addi %add3A_27, %add3A_69 : i32
        %dma_start3A_71 = tpu.memref_slice %arg3[%add3A_70] : memref<1600000xi32, #tpu.memory_space<hbm>> -> memref<200xi32, #tpu.memory_space<hbm>>
        %dma_start3A_72 = tpu.memref_slice %arg3[%add3A_70] : memref<1600000xi32, #tpu.memory_space<hbm>> -> memref<200xi32, #tpu.memory_space<hbm>>
        tpu.enqueue_dma source(%dma_start3A_72 : memref<200xi32, #tpu.memory_space<hbm>>) target(%arg8 : memref<200xi32, #tpu.memory_space<vmem>>) target_semaphore(%arg14 : memref<!tpu.dma_semaphore, #tpu.memory_space<semaphore_mem>>)
        %dma_start3A_73 = tpu.memref_slice %arg4[%add3A_70] : memref<1600000xi32, #tpu.memory_space<hbm>> -> memref<200xi32, #tpu.memory_space<hbm>>
        %dma_start3A_74 = tpu.memref_slice %arg4[%add3A_70] : memref<1600000xi32, #tpu.memory_space<hbm>> -> memref<200xi32, #tpu.memory_space<hbm>>
        tpu.enqueue_dma source(%dma_start3A_74 : memref<200xi32, #tpu.memory_space<hbm>>) target(%arg10 : memref<200xi32, #tpu.memory_space<vmem>>) target_semaphore(%arg16 : memref<!tpu.dma_semaphore, #tpu.memory_space<semaphore_mem>>)
        %add3A_75 = arith.constant 200 : i32
        %add3A_76 = arith.addi %add3A_70, %add3A_75 : i32
        %dma_start3A_77 = tpu.memref_slice %arg3[%add3A_76] : memref<1600000xi32, #tpu.memory_space<hbm>> -> memref<200xi32, #tpu.memory_space<hbm>>
        %dma_start3A_78 = tpu.memref_slice %arg3[%add3A_76] : memref<1600000xi32, #tpu.memory_space<hbm>> -> memref<200xi32, #tpu.memory_space<hbm>>
        tpu.enqueue_dma source(%dma_start3A_78 : memref<200xi32, #tpu.memory_space<hbm>>) target(%arg9 : memref<200xi32, #tpu.memory_space<vmem>>) target_semaphore(%arg15 : memref<!tpu.dma_semaphore, #tpu.memory_space<semaphore_mem>>)
        %add3A_79 = arith.constant 200 : i32
        %add3A_80 = arith.addi %add3A_70, %add3A_79 : i32
        %dma_start3A_81 = tpu.memref_slice %arg4[%add3A_80] : memref<1600000xi32, #tpu.memory_space<hbm>> -> memref<200xi32, #tpu.memory_space<hbm>>
        %dma_start3A_82 = tpu.memref_slice %arg4[%add3A_80] : memref<1600000xi32, #tpu.memory_space<hbm>> -> memref<200xi32, #tpu.memory_space<hbm>>
        tpu.enqueue_dma source(%dma_start3A_82 : memref<200xi32, #tpu.memory_space<hbm>>) target(%arg11 : memref<200xi32, #tpu.memory_space<vmem>>) target_semaphore(%arg17 : memref<!tpu.dma_semaphore, #tpu.memory_space<semaphore_mem>>)
      } else {
      }
    }
    %scan3A_20 = arith.constant 125 : i32
    %barrier3A_21 = arith.constant 0 : index
    tpu.barrier barrier_id(%barrier3A_21)
    "tpu.region"() ({
      %run_scoped3A = tpu.sem_alloc : memref<!tpu.dma_semaphore, #tpu.memory_space<semaphore_mem>>
      %dma_start3A_22 = arith.constant 0 : i32
      %dma_start3A_23 = tpu.memref_slice %arg6[%arg0, %mul3A_0, %dma_start3A_22] : memref<2x50000x32xf32, #tpu.memory_space<hbm>> -> memref<1x3125x32xf32, #tpu.memory_space<hbm>>
      %dma_start3A_24 = tpu.memref_squeeze %dma_start3A_23 : memref<1x3125x32xf32, #tpu.memory_space<hbm>> -> memref<3125x32xf32, #tpu.memory_space<hbm>>
      %dma_start3A_25 = arith.constant 0 : i32
      %dma_start3A_26 = tpu.memref_slice %arg7[%mul3A_0, %dma_start3A_25] : memref<50000x32xf32, #tpu.memory_space<vmem_shared>> -> memref<3125x32xf32, #tpu.memory_space<vmem_shared>>
      tpu.enqueue_dma source(%dma_start3A_26 : memref<3125x32xf32, #tpu.memory_space<vmem_shared>>) target(%dma_start3A_24 : memref<3125x32xf32, #tpu.memory_space<hbm>>) target_semaphore(%run_scoped3A : memref<!tpu.dma_semaphore, #tpu.memory_space<semaphore_mem>>)
      %dma_wait3A = arith.constant 0 : i32
      %dma_wait3A_27 = tpu.memref_slice %arg6[%arg0, %mul3A_0, %dma_wait3A] : memref<2x50000x32xf32, #tpu.memory_space<hbm>> -> memref<1x3125x32xf32, #tpu.memory_space<hbm>>
      %dma_wait3A_28 = tpu.memref_squeeze %dma_wait3A_27 : memref<1x3125x32xf32, #tpu.memory_space<hbm>> -> memref<3125x32xf32, #tpu.memory_space<hbm>>
      %dma_wait3A_29 = arith.constant 0 : i32
      %dma_wait3A_30 = tpu.memref_slice %arg7[%mul3A_0, %dma_wait3A_29] : memref<50000x32xf32, #tpu.memory_space<vmem_shared>> -> memref<3125x32xf32, #tpu.memory_space<vmem_shared>>
      tpu.wait_dma2 semaphore(%run_scoped3A : memref<!tpu.dma_semaphore, #tpu.memory_space<semaphore_mem>>) src(%dma_wait3A_30 : memref<3125x32xf32, #tpu.memory_space<vmem_shared>>) dst(%dma_wait3A_28 : memref<3125x32xf32, #tpu.memory_space<hbm>>)
      tpu.yield
    }) : () -> ()
    return
  }
}

#map = affine_map<(d0, d1) -> (0)>
#map1 = affine_map<(d0, d1) -> (0, 0)>
#map2 = affine_map<(d0, d1) -> (0, 0, 0)>
module attributes {stable_mosaic.version = 14 : i64} {
  func.func @_deg_body(%arg0: i32, %arg1: i32, %arg2: memref<1600000xi32, #tpu.memory_space<hbm>>, %arg3: memref<50000x16xf32, #tpu.memory_space<hbm>>, %arg4: memref<1000x16xf32, #tpu.memory_space<hbm>>, %arg5: memref<2x50000x16xf32, #tpu.memory_space<hbm>>, %arg6: memref<50000x16xf32, #tpu.memory_space<vmem_shared>>, %arg7: memref<1000xi32, #tpu.memory_space<vmem>>, %arg8: memref<1000xi32, #tpu.memory_space<vmem>>, %arg9: memref<1000x16xf32, #tpu.memory_space<vmem>>, %arg10: memref<!tpu.dma_semaphore, #tpu.memory_space<semaphore_mem>>, %arg11: memref<!tpu.dma_semaphore, #tpu.memory_space<semaphore_mem>>, %arg12: memref<!tpu.dma_semaphore, #tpu.memory_space<semaphore_mem>>, %arg13: memref<!tpu.dma_semaphore, #tpu.memory_space<semaphore_mem>>) attributes {dimension_semantics = [#tpu.dimension_semantics<core_parallel>, #tpu.dimension_semantics<subcore_parallel>], iteration_bounds = array<i64: 2, 16>, scalar_prefetch = 0 : i64, scratch_operands = 8 : i64, tpu.core_type = #tpu.core_type<sc_vector_subcore>, window_params = [{transform_indices = #map}, {transform_indices = #map1}, {transform_indices = #map1}, {transform_indices = #map2}]} {
    %mul3A = arith.constant 16 : i32
    %mul3A_0 = arith.muli %arg0, %mul3A : i32
    %add3A = arith.addi %mul3A_0, %arg1 : i32
    %mul3A_1 = arith.constant 3125 : i32
    %mul3A_2 = arith.muli %arg1, %mul3A_1 : i32
    "tpu.region"() ({
      %run_scoped3A = tpu.sem_alloc : memref<!tpu.dma_semaphore, #tpu.memory_space<semaphore_mem>>
      tpu.enqueue_dma source(%arg4 : memref<1000x16xf32, #tpu.memory_space<hbm>>) target(%arg9 : memref<1000x16xf32, #tpu.memory_space<vmem>>) target_semaphore(%run_scoped3A : memref<!tpu.dma_semaphore, #tpu.memory_space<semaphore_mem>>)
      tpu.wait_dma2 semaphore(%run_scoped3A : memref<!tpu.dma_semaphore, #tpu.memory_space<semaphore_mem>>) src(%arg4 : memref<1000x16xf32, #tpu.memory_space<hbm>>) dst(%arg9 : memref<1000x16xf32, #tpu.memory_space<vmem>>)
      tpu.yield
    }) : () -> ()
    "tpu.region"() ({
      %run_scoped3A = tpu.sem_alloc : memref<!tpu.dma_semaphore, #tpu.memory_space<semaphore_mem>>
      %dma_start3A_16 = arith.constant 0 : i32
      %dma_start3A_17 = tpu.memref_slice %arg6[%mul3A_2, %dma_start3A_16] : memref<50000x16xf32, #tpu.memory_space<vmem_shared>> -> memref<3125x16xf32, #tpu.memory_space<vmem_shared>>
      %dma_start3A_18 = arith.constant 0 : i32
      %dma_start3A_19 = tpu.memref_slice %arg3[%mul3A_2, %dma_start3A_18] : memref<50000x16xf32, #tpu.memory_space<hbm>> -> memref<3125x16xf32, #tpu.memory_space<hbm>>
      tpu.enqueue_dma source(%dma_start3A_19 : memref<3125x16xf32, #tpu.memory_space<hbm>>) target(%dma_start3A_17 : memref<3125x16xf32, #tpu.memory_space<vmem_shared>>) target_semaphore(%run_scoped3A : memref<!tpu.dma_semaphore, #tpu.memory_space<semaphore_mem>>)
      %dma_wait3A = arith.constant 0 : i32
      %dma_wait3A_20 = tpu.memref_slice %arg6[%mul3A_2, %dma_wait3A] : memref<50000x16xf32, #tpu.memory_space<vmem_shared>> -> memref<3125x16xf32, #tpu.memory_space<vmem_shared>>
      %dma_wait3A_21 = arith.constant 0 : i32
      %dma_wait3A_22 = tpu.memref_slice %arg3[%mul3A_2, %dma_wait3A_21] : memref<50000x16xf32, #tpu.memory_space<hbm>> -> memref<3125x16xf32, #tpu.memory_space<hbm>>
      tpu.wait_dma2 semaphore(%run_scoped3A : memref<!tpu.dma_semaphore, #tpu.memory_space<semaphore_mem>>) src(%dma_wait3A_22 : memref<3125x16xf32, #tpu.memory_space<hbm>>) dst(%dma_wait3A_20 : memref<3125x16xf32, #tpu.memory_space<vmem_shared>>)
      tpu.yield
    }) : () -> ()
    %barrier3A = arith.constant 0 : index
    tpu.barrier barrier_id(%barrier3A)
    %mul3A_3 = arith.constant 50000 : i32
    %mul3A_4 = arith.muli %add3A, %mul3A_3 : i32
    %dma_start3A = tpu.memref_slice %arg2[%mul3A_4] : memref<1600000xi32, #tpu.memory_space<hbm>> -> memref<1000xi32, #tpu.memory_space<hbm>>
    %dma_start3A_5 = tpu.memref_slice %arg2[%mul3A_4] : memref<1600000xi32, #tpu.memory_space<hbm>> -> memref<1000xi32, #tpu.memory_space<hbm>>
    tpu.enqueue_dma source(%dma_start3A_5 : memref<1000xi32, #tpu.memory_space<hbm>>) target(%arg7 : memref<1000xi32, #tpu.memory_space<vmem>>) target_semaphore(%arg10 : memref<!tpu.dma_semaphore, #tpu.memory_space<semaphore_mem>>)
    %add3A_6 = arith.constant 1000 : i32
    %add3A_7 = arith.addi %mul3A_4, %add3A_6 : i32
    %dma_start3A_8 = tpu.memref_slice %arg2[%add3A_7] : memref<1600000xi32, #tpu.memory_space<hbm>> -> memref<1000xi32, #tpu.memory_space<hbm>>
    %dma_start3A_9 = tpu.memref_slice %arg2[%add3A_7] : memref<1600000xi32, #tpu.memory_space<hbm>> -> memref<1000xi32, #tpu.memory_space<hbm>>
    tpu.enqueue_dma source(%dma_start3A_9 : memref<1000xi32, #tpu.memory_space<hbm>>) target(%arg8 : memref<1000xi32, #tpu.memory_space<vmem>>) target_semaphore(%arg11 : memref<!tpu.dma_semaphore, #tpu.memory_space<semaphore_mem>>)
    %scan3A = arith.constant 0 : i32
    %scan3A_10 = arith.constant 0 : i32
    %scan3A_11 = arith.constant 25 : i32
    %scan3A_12 = arith.addi %scan3A_10, %scan3A_11 : i32
    %scan3A_13 = arith.constant 1 : i32
    scf.for %scan3A_16 = %scan3A_10 to %scan3A_12 step %scan3A_13  : i32 {
      %mul3A_17 = arith.constant 2 : i32
      %mul3A_18 = arith.muli %scan3A_16, %mul3A_17 : i32
      %mul3A_19 = arith.constant 1000 : i32
      %mul3A_20 = arith.muli %mul3A_18, %mul3A_19 : i32
      %add3A_21 = arith.addi %mul3A_4, %mul3A_20 : i32
      %dma_wait3A = arith.constant 0 : i32
      %dma_wait3A_22 = tpu.memref_slice %arg2[%dma_wait3A] : memref<1600000xi32, #tpu.memory_space<hbm>> -> memref<1000xi32, #tpu.memory_space<hbm>>
      %dma_wait3A_23 = arith.constant 0 : i32
      %dma_wait3A_24 = tpu.memref_slice %arg2[%dma_wait3A_23] : memref<1600000xi32, #tpu.memory_space<hbm>> -> memref<1000xi32, #tpu.memory_space<hbm>>
      tpu.wait_dma2 semaphore(%arg10 : memref<!tpu.dma_semaphore, #tpu.memory_space<semaphore_mem>>) src(%dma_wait3A_24 : memref<1000xi32, #tpu.memory_space<hbm>>) dst(%arg7 : memref<1000xi32, #tpu.memory_space<vmem>>)
      %dma_start3A_25 = arith.constant 0 : i32
      %dma_start3A_26 = arith.constant 0 : i32
      %dma_start3A_27 = tpu.memref_slice %arg6[%dma_start3A_25, %dma_start3A_26] : memref<50000x16xf32, #tpu.memory_space<vmem_shared>> -> memref<50000x16xf32, #tpu.memory_space<vmem_shared>>
      tpu.enqueue_indirect_dma source(%arg9 : memref<1000x16xf32, #tpu.memory_space<vmem>>) target(%dma_start3A_27 : memref<50000x16xf32, #tpu.memory_space<vmem_shared>>) offsets(%arg7 : memref<1000xi32, #tpu.memory_space<vmem>>) semaphore(%arg12 : memref<!tpu.dma_semaphore, #tpu.memory_space<semaphore_mem>>) {add = true}
      %dma_wait3A_28 = arith.constant 0 : i32
      %dma_wait3A_29 = tpu.memref_slice %arg2[%dma_wait3A_28] : memref<1600000xi32, #tpu.memory_space<hbm>> -> memref<1000xi32, #tpu.memory_space<hbm>>
      %dma_wait3A_30 = arith.constant 0 : i32
      %dma_wait3A_31 = tpu.memref_slice %arg2[%dma_wait3A_30] : memref<1600000xi32, #tpu.memory_space<hbm>> -> memref<1000xi32, #tpu.memory_space<hbm>>
      tpu.wait_dma2 semaphore(%arg11 : memref<!tpu.dma_semaphore, #tpu.memory_space<semaphore_mem>>) src(%dma_wait3A_31 : memref<1000xi32, #tpu.memory_space<hbm>>) dst(%arg8 : memref<1000xi32, #tpu.memory_space<vmem>>)
      %dma_start3A_32 = arith.constant 0 : i32
      %dma_start3A_33 = arith.constant 0 : i32
      %dma_start3A_34 = tpu.memref_slice %arg6[%dma_start3A_32, %dma_start3A_33] : memref<50000x16xf32, #tpu.memory_space<vmem_shared>> -> memref<50000x16xf32, #tpu.memory_space<vmem_shared>>
      tpu.enqueue_indirect_dma source(%arg9 : memref<1000x16xf32, #tpu.memory_space<vmem>>) target(%dma_start3A_34 : memref<50000x16xf32, #tpu.memory_space<vmem_shared>>) offsets(%arg8 : memref<1000xi32, #tpu.memory_space<vmem>>) semaphore(%arg13 : memref<!tpu.dma_semaphore, #tpu.memory_space<semaphore_mem>>) {add = true}
      %dma_wait3A_35 = arith.constant 0 : i32
      %dma_wait3A_36 = arith.constant 0 : i32
      %dma_wait3A_37 = tpu.memref_slice %arg6[%dma_wait3A_35, %dma_wait3A_36] : memref<50000x16xf32, #tpu.memory_space<vmem_shared>> -> memref<50000x16xf32, #tpu.memory_space<vmem_shared>>
      tpu.wait_indirect_dma semaphore(%arg12 : memref<!tpu.dma_semaphore, #tpu.memory_space<semaphore_mem>>) src(%arg9 : memref<1000x16xf32, #tpu.memory_space<vmem>>) dst(%dma_wait3A_37 : memref<50000x16xf32, #tpu.memory_space<vmem_shared>>)
      %dma_wait3A_38 = arith.constant 0 : i32
      %dma_wait3A_39 = arith.constant 0 : i32
      %dma_wait3A_40 = tpu.memref_slice %arg6[%dma_wait3A_38, %dma_wait3A_39] : memref<50000x16xf32, #tpu.memory_space<vmem_shared>> -> memref<50000x16xf32, #tpu.memory_space<vmem_shared>>
      tpu.wait_indirect_dma semaphore(%arg13 : memref<!tpu.dma_semaphore, #tpu.memory_space<semaphore_mem>>) src(%arg9 : memref<1000x16xf32, #tpu.memory_space<vmem>>) dst(%dma_wait3A_40 : memref<50000x16xf32, #tpu.memory_space<vmem_shared>>)
      %lt3A = arith.constant 24 : i32
      %lt3A_41 = arith.cmpi slt, %scan3A_16, %lt3A : i32
      %convert_element_type3A = arith.extui %lt3A_41 : i1 to i32
      %cond3A = arith.constant 0 : i32
      %cond3A_42 = arith.cmpi ne, %convert_element_type3A, %cond3A : i32
      scf.if %cond3A_42 {
        %add3A_43 = arith.constant 2000 : i32
        %add3A_44 = arith.addi %add3A_21, %add3A_43 : i32
        %dma_start3A_45 = tpu.memref_slice %arg2[%add3A_44] : memref<1600000xi32, #tpu.memory_space<hbm>> -> memref<1000xi32, #tpu.memory_space<hbm>>
        %dma_start3A_46 = tpu.memref_slice %arg2[%add3A_44] : memref<1600000xi32, #tpu.memory_space<hbm>> -> memref<1000xi32, #tpu.memory_space<hbm>>
        tpu.enqueue_dma source(%dma_start3A_46 : memref<1000xi32, #tpu.memory_space<hbm>>) target(%arg7 : memref<1000xi32, #tpu.memory_space<vmem>>) target_semaphore(%arg10 : memref<!tpu.dma_semaphore, #tpu.memory_space<semaphore_mem>>)
        %add3A_47 = arith.constant 1000 : i32
        %add3A_48 = arith.addi %add3A_44, %add3A_47 : i32
        %dma_start3A_49 = tpu.memref_slice %arg2[%add3A_48] : memref<1600000xi32, #tpu.memory_space<hbm>> -> memref<1000xi32, #tpu.memory_space<hbm>>
        %dma_start3A_50 = tpu.memref_slice %arg2[%add3A_48] : memref<1600000xi32, #tpu.memory_space<hbm>> -> memref<1000xi32, #tpu.memory_space<hbm>>
        tpu.enqueue_dma source(%dma_start3A_50 : memref<1000xi32, #tpu.memory_space<hbm>>) target(%arg8 : memref<1000xi32, #tpu.memory_space<vmem>>) target_semaphore(%arg11 : memref<!tpu.dma_semaphore, #tpu.memory_space<semaphore_mem>>)
      } else {
      }
    }
    %scan3A_14 = arith.constant 25 : i32
    %barrier3A_15 = arith.constant 0 : index
    tpu.barrier barrier_id(%barrier3A_15)
    "tpu.region"() ({
      %run_scoped3A = tpu.sem_alloc : memref<!tpu.dma_semaphore, #tpu.memory_space<semaphore_mem>>
      %dma_start3A_16 = arith.constant 0 : i32
      %dma_start3A_17 = tpu.memref_slice %arg5[%arg0, %mul3A_2, %dma_start3A_16] : memref<2x50000x16xf32, #tpu.memory_space<hbm>> -> memref<1x3125x16xf32, #tpu.memory_space<hbm>>
      %dma_start3A_18 = tpu.memref_squeeze %dma_start3A_17 : memref<1x3125x16xf32, #tpu.memory_space<hbm>> -> memref<3125x16xf32, #tpu.memory_space<hbm>>
      %dma_start3A_19 = arith.constant 0 : i32
      %dma_start3A_20 = tpu.memref_slice %arg6[%mul3A_2, %dma_start3A_19] : memref<50000x16xf32, #tpu.memory_space<vmem_shared>> -> memref<3125x16xf32, #tpu.memory_space<vmem_shared>>
      tpu.enqueue_dma source(%dma_start3A_20 : memref<3125x16xf32, #tpu.memory_space<vmem_shared>>) target(%dma_start3A_18 : memref<3125x16xf32, #tpu.memory_space<hbm>>) target_semaphore(%run_scoped3A : memref<!tpu.dma_semaphore, #tpu.memory_space<semaphore_mem>>)
      %dma_wait3A = arith.constant 0 : i32
      %dma_wait3A_21 = tpu.memref_slice %arg5[%arg0, %mul3A_2, %dma_wait3A] : memref<2x50000x16xf32, #tpu.memory_space<hbm>> -> memref<1x3125x16xf32, #tpu.memory_space<hbm>>
      %dma_wait3A_22 = tpu.memref_squeeze %dma_wait3A_21 : memref<1x3125x16xf32, #tpu.memory_space<hbm>> -> memref<3125x16xf32, #tpu.memory_space<hbm>>
      %dma_wait3A_23 = arith.constant 0 : i32
      %dma_wait3A_24 = tpu.memref_slice %arg6[%mul3A_2, %dma_wait3A_23] : memref<50000x16xf32, #tpu.memory_space<vmem_shared>> -> memref<3125x16xf32, #tpu.memory_space<vmem_shared>>
      tpu.wait_dma2 semaphore(%run_scoped3A : memref<!tpu.dma_semaphore, #tpu.memory_space<semaphore_mem>>) src(%dma_wait3A_24 : memref<3125x16xf32, #tpu.memory_space<vmem_shared>>) dst(%dma_wait3A_22 : memref<3125x16xf32, #tpu.memory_space<hbm>>)
      tpu.yield
    }) : () -> ()
    return
  }
}

#map = affine_map<(d0, d1) -> (0, 0)>
#map1 = affine_map<(d0, d1) -> (0)>
#map2 = affine_map<(d0, d1) -> (0, 0, 0)>
module attributes {stable_mosaic.version = 14 : i64} {
  func.func @_seg_body(%arg0: i32, %arg1: i32, %arg2: memref<50000x32xf32, #tpu.memory_space<hbm>>, %arg3: memref<1600000xi32, #tpu.memory_space<hbm>>, %arg4: memref<1600000xi32, #tpu.memory_space<hbm>>, %arg5: memref<50000x32xf32, #tpu.memory_space<hbm>>, %arg6: memref<2x50000x32xf32, #tpu.memory_space<hbm>>, %arg7: memref<50000x32xf32, #tpu.memory_space<vmem_shared>>, %arg8: memref<200xi32, #tpu.memory_space<vmem>>, %arg9: memref<200xi32, #tpu.memory_space<vmem>>, %arg10: memref<200xi32, #tpu.memory_space<vmem>>, %arg11: memref<200xi32, #tpu.memory_space<vmem>>, %arg12: memref<200x32xf32, #tpu.memory_space<vmem>>, %arg13: memref<200x32xf32, #tpu.memory_space<vmem>>, %arg14: memref<!tpu.dma_semaphore, #tpu.memory_space<semaphore_mem>>, %arg15: memref<!tpu.dma_semaphore, #tpu.memory_space<semaphore_mem>>, %arg16: memref<!tpu.dma_semaphore, #tpu.memory_space<semaphore_mem>>, %arg17: memref<!tpu.dma_semaphore, #tpu.memory_space<semaphore_mem>>, %arg18: memref<!tpu.dma_semaphore, #tpu.memory_space<semaphore_mem>>, %arg19: memref<!tpu.dma_semaphore, #tpu.memory_space<semaphore_mem>>, %arg20: memref<!tpu.dma_semaphore, #tpu.memory_space<semaphore_mem>>, %arg21: memref<!tpu.dma_semaphore, #tpu.memory_space<semaphore_mem>>) attributes {dimension_semantics = [#tpu.dimension_semantics<core_parallel>, #tpu.dimension_semantics<subcore_parallel>], iteration_bounds = array<i64: 2, 16>, scalar_prefetch = 0 : i64, scratch_operands = 15 : i64, tpu.core_type = #tpu.core_type<sc_vector_subcore>, window_params = [{transform_indices = #map}, {transform_indices = #map1}, {transform_indices = #map1}, {transform_indices = #map}, {transform_indices = #map2}]} {
    %mul3A = arith.constant 3125 : i32
    %mul3A_0 = arith.muli %arg1, %mul3A : i32
    "tpu.region"() ({
      %run_scoped3A = tpu.sem_alloc : memref<!tpu.dma_semaphore, #tpu.memory_space<semaphore_mem>>
      %dma_start3A_22 = arith.constant 0 : i32
      %dma_start3A_23 = tpu.memref_slice %arg7[%mul3A_0, %dma_start3A_22] : memref<50000x32xf32, #tpu.memory_space<vmem_shared>> -> memref<3125x32xf32, #tpu.memory_space<vmem_shared>>
      %dma_start3A_24 = arith.constant 0 : i32
      %dma_start3A_25 = tpu.memref_slice %arg5[%mul3A_0, %dma_start3A_24] : memref<50000x32xf32, #tpu.memory_space<hbm>> -> memref<3125x32xf32, #tpu.memory_space<hbm>>
      tpu.enqueue_dma source(%dma_start3A_25 : memref<3125x32xf32, #tpu.memory_space<hbm>>) target(%dma_start3A_23 : memref<3125x32xf32, #tpu.memory_space<vmem_shared>>) target_semaphore(%run_scoped3A : memref<!tpu.dma_semaphore, #tpu.memory_space<semaphore_mem>>)
      %dma_wait3A = arith.constant 0 : i32
      %dma_wait3A_26 = tpu.memref_slice %arg7[%mul3A_0, %dma_wait3A] : memref<50000x32xf32, #tpu.memory_space<vmem_shared>> -> memref<3125x32xf32, #tpu.memory_space<vmem_shared>>
      %dma_wait3A_27 = arith.constant 0 : i32
      %dma_wait3A_28 = tpu.memref_slice %arg5[%mul3A_0, %dma_wait3A_27] : memref<50000x32xf32, #tpu.memory_space<hbm>> -> memref<3125x32xf32, #tpu.memory_space<hbm>>
      tpu.wait_dma2 semaphore(%run_scoped3A : memref<!tpu.dma_semaphore, #tpu.memory_space<semaphore_mem>>) src(%dma_wait3A_28 : memref<3125x32xf32, #tpu.memory_space<hbm>>) dst(%dma_wait3A_26 : memref<3125x32xf32, #tpu.memory_space<vmem_shared>>)
      tpu.yield
    }) : () -> ()
    %barrier3A = arith.constant 0 : index
    tpu.barrier barrier_id(%barrier3A)
    %mul3A_1 = arith.constant 16 : i32
    %mul3A_2 = arith.muli %arg0, %mul3A_1 : i32
    %add3A = arith.addi %mul3A_2, %arg1 : i32
    %mul3A_3 = arith.constant 50000 : i32
    %mul3A_4 = arith.muli %add3A, %mul3A_3 : i32
    %dma_start3A = tpu.memref_slice %arg3[%mul3A_4] : memref<1600000xi32, #tpu.memory_space<hbm>> -> memref<200xi32, #tpu.memory_space<hbm>>
    %dma_start3A_5 = tpu.memref_slice %arg3[%mul3A_4] : memref<1600000xi32, #tpu.memory_space<hbm>> -> memref<200xi32, #tpu.memory_space<hbm>>
    tpu.enqueue_dma source(%dma_start3A_5 : memref<200xi32, #tpu.memory_space<hbm>>) target(%arg8 : memref<200xi32, #tpu.memory_space<vmem>>) target_semaphore(%arg14 : memref<!tpu.dma_semaphore, #tpu.memory_space<semaphore_mem>>)
    %dma_start3A_6 = tpu.memref_slice %arg4[%mul3A_4] : memref<1600000xi32, #tpu.memory_space<hbm>> -> memref<200xi32, #tpu.memory_space<hbm>>
    %dma_start3A_7 = tpu.memref_slice %arg4[%mul3A_4] : memref<1600000xi32, #tpu.memory_space<hbm>> -> memref<200xi32, #tpu.memory_space<hbm>>
    tpu.enqueue_dma source(%dma_start3A_7 : memref<200xi32, #tpu.memory_space<hbm>>) target(%arg10 : memref<200xi32, #tpu.memory_space<vmem>>) target_semaphore(%arg16 : memref<!tpu.dma_semaphore, #tpu.memory_space<semaphore_mem>>)
    %add3A_8 = arith.constant 200 : i32
    %add3A_9 = arith.addi %mul3A_4, %add3A_8 : i32
    %dma_start3A_10 = tpu.memref_slice %arg3[%add3A_9] : memref<1600000xi32, #tpu.memory_space<hbm>> -> memref<200xi32, #tpu.memory_space<hbm>>
    %dma_start3A_11 = tpu.memref_slice %arg3[%add3A_9] : memref<1600000xi32, #tpu.memory_space<hbm>> -> memref<200xi32, #tpu.memory_space<hbm>>
    tpu.enqueue_dma source(%dma_start3A_11 : memref<200xi32, #tpu.memory_space<hbm>>) target(%arg9 : memref<200xi32, #tpu.memory_space<vmem>>) target_semaphore(%arg15 : memref<!tpu.dma_semaphore, #tpu.memory_space<semaphore_mem>>)
    %add3A_12 = arith.constant 200 : i32
    %add3A_13 = arith.addi %mul3A_4, %add3A_12 : i32
    %dma_start3A_14 = tpu.memref_slice %arg4[%add3A_13] : memref<1600000xi32, #tpu.memory_space<hbm>> -> memref<200xi32, #tpu.memory_space<hbm>>
    %dma_start3A_15 = tpu.memref_slice %arg4[%add3A_13] : memref<1600000xi32, #tpu.memory_space<hbm>> -> memref<200xi32, #tpu.memory_space<hbm>>
    tpu.enqueue_dma source(%dma_start3A_15 : memref<200xi32, #tpu.memory_space<hbm>>) target(%arg11 : memref<200xi32, #tpu.memory_space<vmem>>) target_semaphore(%arg17 : memref<!tpu.dma_semaphore, #tpu.memory_space<semaphore_mem>>)
    %scan3A = arith.constant 0 : i32
    %scan3A_16 = arith.constant 0 : i32
    %scan3A_17 = arith.constant 125 : i32
    %scan3A_18 = arith.addi %scan3A_16, %scan3A_17 : i32
    %scan3A_19 = arith.constant 1 : i32
    scf.for %scan3A_22 = %scan3A_16 to %scan3A_18 step %scan3A_19  : i32 {
      %mul3A_23 = arith.constant 2 : i32
      %mul3A_24 = arith.muli %scan3A_22, %mul3A_23 : i32
      %mul3A_25 = arith.constant 200 : i32
      %mul3A_26 = arith.muli %mul3A_24, %mul3A_25 : i32
      %add3A_27 = arith.addi %mul3A_4, %mul3A_26 : i32
      %dma_wait3A = arith.constant 0 : i32
      %dma_wait3A_28 = tpu.memref_slice %arg3[%dma_wait3A] : memref<1600000xi32, #tpu.memory_space<hbm>> -> memref<200xi32, #tpu.memory_space<hbm>>
      %dma_wait3A_29 = arith.constant 0 : i32
      %dma_wait3A_30 = tpu.memref_slice %arg3[%dma_wait3A_29] : memref<1600000xi32, #tpu.memory_space<hbm>> -> memref<200xi32, #tpu.memory_space<hbm>>
      tpu.wait_dma2 semaphore(%arg14 : memref<!tpu.dma_semaphore, #tpu.memory_space<semaphore_mem>>) src(%dma_wait3A_30 : memref<200xi32, #tpu.memory_space<hbm>>) dst(%arg8 : memref<200xi32, #tpu.memory_space<vmem>>)
      %dma_wait3A_31 = arith.constant 0 : i32
      %dma_wait3A_32 = tpu.memref_slice %arg4[%dma_wait3A_31] : memref<1600000xi32, #tpu.memory_space<hbm>> -> memref<200xi32, #tpu.memory_space<hbm>>
      %dma_wait3A_33 = arith.constant 0 : i32
      %dma_wait3A_34 = tpu.memref_slice %arg4[%dma_wait3A_33] : memref<1600000xi32, #tpu.memory_space<hbm>> -> memref<200xi32, #tpu.memory_space<hbm>>
      tpu.wait_dma2 semaphore(%arg16 : memref<!tpu.dma_semaphore, #tpu.memory_space<semaphore_mem>>) src(%dma_wait3A_34 : memref<200xi32, #tpu.memory_space<hbm>>) dst(%arg10 : memref<200xi32, #tpu.memory_space<vmem>>)
      %dma_start3A_35 = arith.constant 0 : i32
      %dma_start3A_36 = arith.constant 0 : i32
      %dma_start3A_37 = tpu.memref_slice %arg2[%dma_start3A_35, %dma_start3A_36] : memref<50000x32xf32, #tpu.memory_space<hbm>> -> memref<50000x32xf32, #tpu.memory_space<hbm>>
      tpu.enqueue_indirect_dma source(%dma_start3A_37 : memref<50000x32xf32, #tpu.memory_space<hbm>>) target(%arg12 : memref<200x32xf32, #tpu.memory_space<vmem>>) offsets(%arg8 : memref<200xi32, #tpu.memory_space<vmem>>) semaphore(%arg18 : memref<!tpu.dma_semaphore, #tpu.memory_space<semaphore_mem>>)
      %dma_wait3A_38 = arith.constant 0 : i32
      %dma_wait3A_39 = tpu.memref_slice %arg3[%dma_wait3A_38] : memref<1600000xi32, #tpu.memory_space<hbm>> -> memref<200xi32, #tpu.memory_space<hbm>>
      %dma_wait3A_40 = arith.constant 0 : i32
      %dma_wait3A_41 = tpu.memref_slice %arg3[%dma_wait3A_40] : memref<1600000xi32, #tpu.memory_space<hbm>> -> memref<200xi32, #tpu.memory_space<hbm>>
      tpu.wait_dma2 semaphore(%arg15 : memref<!tpu.dma_semaphore, #tpu.memory_space<semaphore_mem>>) src(%dma_wait3A_41 : memref<200xi32, #tpu.memory_space<hbm>>) dst(%arg9 : memref<200xi32, #tpu.memory_space<vmem>>)
      %dma_wait3A_42 = arith.constant 0 : i32
      %dma_wait3A_43 = tpu.memref_slice %arg4[%dma_wait3A_42] : memref<1600000xi32, #tpu.memory_space<hbm>> -> memref<200xi32, #tpu.memory_space<hbm>>
      %dma_wait3A_44 = arith.constant 0 : i32
      %dma_wait3A_45 = tpu.memref_slice %arg4[%dma_wait3A_44] : memref<1600000xi32, #tpu.memory_space<hbm>> -> memref<200xi32, #tpu.memory_space<hbm>>
      tpu.wait_dma2 semaphore(%arg17 : memref<!tpu.dma_semaphore, #tpu.memory_space<semaphore_mem>>) src(%dma_wait3A_45 : memref<200xi32, #tpu.memory_space<hbm>>) dst(%arg11 : memref<200xi32, #tpu.memory_space<vmem>>)
      %dma_start3A_46 = arith.constant 0 : i32
      %dma_start3A_47 = arith.constant 0 : i32
      %dma_start3A_48 = tpu.memref_slice %arg2[%dma_start3A_46, %dma_start3A_47] : memref<50000x32xf32, #tpu.memory_space<hbm>> -> memref<50000x32xf32, #tpu.memory_space<hbm>>
      tpu.enqueue_indirect_dma source(%dma_start3A_48 : memref<50000x32xf32, #tpu.memory_space<hbm>>) target(%arg13 : memref<200x32xf32, #tpu.memory_space<vmem>>) offsets(%arg9 : memref<200xi32, #tpu.memory_space<vmem>>) semaphore(%arg19 : memref<!tpu.dma_semaphore, #tpu.memory_space<semaphore_mem>>)
      %dma_wait3A_49 = arith.constant 0 : i32
      %dma_wait3A_50 = arith.constant 0 : i32
      %dma_wait3A_51 = tpu.memref_slice %arg2[%dma_wait3A_49, %dma_wait3A_50] : memref<50000x32xf32, #tpu.memory_space<hbm>> -> memref<50000x32xf32, #tpu.memory_space<hbm>>
      tpu.wait_indirect_dma semaphore(%arg18 : memref<!tpu.dma_semaphore, #tpu.memory_space<semaphore_mem>>) src(%dma_wait3A_51 : memref<50000x32xf32, #tpu.memory_space<hbm>>) dst(%arg12 : memref<200x32xf32, #tpu.memory_space<vmem>>)
      %dma_start3A_52 = arith.constant 0 : i32
      %dma_start3A_53 = arith.constant 0 : i32
      %dma_start3A_54 = tpu.memref_slice %arg7[%dma_start3A_52, %dma_start3A_53] : memref<50000x32xf32, #tpu.memory_space<vmem_shared>> -> memref<50000x32xf32, #tpu.memory_space<vmem_shared>>
      tpu.enqueue_indirect_dma source(%arg12 : memref<200x32xf32, #tpu.memory_space<vmem>>) target(%dma_start3A_54 : memref<50000x32xf32, #tpu.memory_space<vmem_shared>>) offsets(%arg10 : memref<200xi32, #tpu.memory_space<vmem>>) semaphore(%arg20 : memref<!tpu.dma_semaphore, #tpu.memory_space<semaphore_mem>>) {add = true}
      %dma_wait3A_55 = arith.constant 0 : i32
      %dma_wait3A_56 = arith.constant 0 : i32
      %dma_wait3A_57 = tpu.memref_slice %arg2[%dma_wait3A_55, %dma_wait3A_56] : memref<50000x32xf32, #tpu.memory_space<hbm>> -> memref<50000x32xf32, #tpu.memory_space<hbm>>
      tpu.wait_indirect_dma semaphore(%arg19 : memref<!tpu.dma_semaphore, #tpu.memory_space<semaphore_mem>>) src(%dma_wait3A_57 : memref<50000x32xf32, #tpu.memory_space<hbm>>) dst(%arg13 : memref<200x32xf32, #tpu.memory_space<vmem>>)
      %dma_start3A_58 = arith.constant 0 : i32
      %dma_start3A_59 = arith.constant 0 : i32
      %dma_start3A_60 = tpu.memref_slice %arg7[%dma_start3A_58, %dma_start3A_59] : memref<50000x32xf32, #tpu.memory_space<vmem_shared>> -> memref<50000x32xf32, #tpu.memory_space<vmem_shared>>
      tpu.enqueue_indirect_dma source(%arg13 : memref<200x32xf32, #tpu.memory_space<vmem>>) target(%dma_start3A_60 : memref<50000x32xf32, #tpu.memory_space<vmem_shared>>) offsets(%arg11 : memref<200xi32, #tpu.memory_space<vmem>>) semaphore(%arg21 : memref<!tpu.dma_semaphore, #tpu.memory_space<semaphore_mem>>) {add = true}
      %dma_wait3A_61 = arith.constant 0 : i32
      %dma_wait3A_62 = arith.constant 0 : i32
      %dma_wait3A_63 = tpu.memref_slice %arg7[%dma_wait3A_61, %dma_wait3A_62] : memref<50000x32xf32, #tpu.memory_space<vmem_shared>> -> memref<50000x32xf32, #tpu.memory_space<vmem_shared>>
      tpu.wait_indirect_dma semaphore(%arg20 : memref<!tpu.dma_semaphore, #tpu.memory_space<semaphore_mem>>) src(%arg12 : memref<200x32xf32, #tpu.memory_space<vmem>>) dst(%dma_wait3A_63 : memref<50000x32xf32, #tpu.memory_space<vmem_shared>>)
      %dma_wait3A_64 = arith.constant 0 : i32
      %dma_wait3A_65 = arith.constant 0 : i32
      %dma_wait3A_66 = tpu.memref_slice %arg7[%dma_wait3A_64, %dma_wait3A_65] : memref<50000x32xf32, #tpu.memory_space<vmem_shared>> -> memref<50000x32xf32, #tpu.memory_space<vmem_shared>>
      tpu.wait_indirect_dma semaphore(%arg21 : memref<!tpu.dma_semaphore, #tpu.memory_space<semaphore_mem>>) src(%arg13 : memref<200x32xf32, #tpu.memory_space<vmem>>) dst(%dma_wait3A_66 : memref<50000x32xf32, #tpu.memory_space<vmem_shared>>)
      %lt3A = arith.constant 124 : i32
      %lt3A_67 = arith.cmpi slt, %scan3A_22, %lt3A : i32
      %convert_element_type3A = arith.extui %lt3A_67 : i1 to i32
      %cond3A = arith.constant 0 : i32
      %cond3A_68 = arith.cmpi ne, %convert_element_type3A, %cond3A : i32
      scf.if %cond3A_68 {
        %add3A_69 = arith.constant 400 : i32
        %add3A_70 = arith.addi %add3A_27, %add3A_69 : i32
        %dma_start3A_71 = tpu.memref_slice %arg3[%add3A_70] : memref<1600000xi32, #tpu.memory_space<hbm>> -> memref<200xi32, #tpu.memory_space<hbm>>
        %dma_start3A_72 = tpu.memref_slice %arg3[%add3A_70] : memref<1600000xi32, #tpu.memory_space<hbm>> -> memref<200xi32, #tpu.memory_space<hbm>>
        tpu.enqueue_dma source(%dma_start3A_72 : memref<200xi32, #tpu.memory_space<hbm>>) target(%arg8 : memref<200xi32, #tpu.memory_space<vmem>>) target_semaphore(%arg14 : memref<!tpu.dma_semaphore, #tpu.memory_space<semaphore_mem>>)
        %dma_start3A_73 = tpu.memref_slice %arg4[%add3A_70] : memref<1600000xi32, #tpu.memory_space<hbm>> -> memref<200xi32, #tpu.memory_space<hbm>>
        %dma_start3A_74 = tpu.memref_slice %arg4[%add3A_70] : memref<1600000xi32, #tpu.memory_space<hbm>> -> memref<200xi32, #tpu.memory_space<hbm>>
        tpu.enqueue_dma source(%dma_start3A_74 : memref<200xi32, #tpu.memory_space<hbm>>) target(%arg10 : memref<200xi32, #tpu.memory_space<vmem>>) target_semaphore(%arg16 : memref<!tpu.dma_semaphore, #tpu.memory_space<semaphore_mem>>)
        %add3A_75 = arith.constant 200 : i32
        %add3A_76 = arith.addi %add3A_70, %add3A_75 : i32
        %dma_start3A_77 = tpu.memref_slice %arg3[%add3A_76] : memref<1600000xi32, #tpu.memory_space<hbm>> -> memref<200xi32, #tpu.memory_space<hbm>>
        %dma_start3A_78 = tpu.memref_slice %arg3[%add3A_76] : memref<1600000xi32, #tpu.memory_space<hbm>> -> memref<200xi32, #tpu.memory_space<hbm>>
        tpu.enqueue_dma source(%dma_start3A_78 : memref<200xi32, #tpu.memory_space<hbm>>) target(%arg9 : memref<200xi32, #tpu.memory_space<vmem>>) target_semaphore(%arg15 : memref<!tpu.dma_semaphore, #tpu.memory_space<semaphore_mem>>)
        %add3A_79 = arith.constant 200 : i32
        %add3A_80 = arith.addi %add3A_70, %add3A_79 : i32
        %dma_start3A_81 = tpu.memref_slice %arg4[%add3A_80] : memref<1600000xi32, #tpu.memory_space<hbm>> -> memref<200xi32, #tpu.memory_space<hbm>>
        %dma_start3A_82 = tpu.memref_slice %arg4[%add3A_80] : memref<1600000xi32, #tpu.memory_space<hbm>> -> memref<200xi32, #tpu.memory_space<hbm>>
        tpu.enqueue_dma source(%dma_start3A_82 : memref<200xi32, #tpu.memory_space<hbm>>) target(%arg11 : memref<200xi32, #tpu.memory_space<vmem>>) target_semaphore(%arg17 : memref<!tpu.dma_semaphore, #tpu.memory_space<semaphore_mem>>)
      } else {
      }
    }
    %scan3A_20 = arith.constant 125 : i32
    %barrier3A_21 = arith.constant 0 : index
    tpu.barrier barrier_id(%barrier3A_21)
    "tpu.region"() ({
      %run_scoped3A = tpu.sem_alloc : memref<!tpu.dma_semaphore, #tpu.memory_space<semaphore_mem>>
      %dma_start3A_22 = arith.constant 0 : i32
      %dma_start3A_23 = tpu.memref_slice %arg6[%arg0, %mul3A_0, %dma_start3A_22] : memref<2x50000x32xf32, #tpu.memory_space<hbm>> -> memref<1x3125x32xf32, #tpu.memory_space<hbm>>
      %dma_start3A_24 = tpu.memref_squeeze %dma_start3A_23 : memref<1x3125x32xf32, #tpu.memory_space<hbm>> -> memref<3125x32xf32, #tpu.memory_space<hbm>>
      %dma_start3A_25 = arith.constant 0 : i32
      %dma_start3A_26 = tpu.memref_slice %arg7[%mul3A_0, %dma_start3A_25] : memref<50000x32xf32, #tpu.memory_space<vmem_shared>> -> memref<3125x32xf32, #tpu.memory_space<vmem_shared>>
      tpu.enqueue_dma source(%dma_start3A_26 : memref<3125x32xf32, #tpu.memory_space<vmem_shared>>) target(%dma_start3A_24 : memref<3125x32xf32, #tpu.memory_space<hbm>>) target_semaphore(%run_scoped3A : memref<!tpu.dma_semaphore, #tpu.memory_space<semaphore_mem>>)
      %dma_wait3A = arith.constant 0 : i32
      %dma_wait3A_27 = tpu.memref_slice %arg6[%arg0, %mul3A_0, %dma_wait3A] : memref<2x50000x32xf32, #tpu.memory_space<hbm>> -> memref<1x3125x32xf32, #tpu.memory_space<hbm>>
      %dma_wait3A_28 = tpu.memref_squeeze %dma_wait3A_27 : memref<1x3125x32xf32, #tpu.memory_space<hbm>> -> memref<3125x32xf32, #tpu.memory_space<hbm>>
      %dma_wait3A_29 = arith.constant 0 : i32
      %dma_wait3A_30 = tpu.memref_slice %arg7[%mul3A_0, %dma_wait3A_29] : memref<50000x32xf32, #tpu.memory_space<vmem_shared>> -> memref<3125x32xf32, #tpu.memory_space<vmem_shared>>
      tpu.wait_dma2 semaphore(%run_scoped3A : memref<!tpu.dma_semaphore, #tpu.memory_space<semaphore_mem>>) src(%dma_wait3A_30 : memref<3125x32xf32, #tpu.memory_space<vmem_shared>>) dst(%dma_wait3A_28 : memref<3125x32xf32, #tpu.memory_space<hbm>>)
      tpu.yield
    }) : () -> ()
    return
  }
}

module attributes {stable_mosaic.version = 14 : i64} {
  func.func @_t1_body(%arg0: i32, %arg1: memref<2x2000x16xf32, #tpu.memory_space<vmem>>, %arg2: memref<2000x3xf32, #tpu.memory_space<vmem>>, %arg3: memref<3x32xf32, #tpu.memory_space<vmem>>, %arg4: memref<2000x1xf32, #tpu.memory_space<vmem>>, %arg5: memref<2000x32xf32, #tpu.memory_space<vmem>>) attributes {dimension_semantics = [#tpu.dimension_semantics<arbitrary>], iteration_bounds = array<i64: 25>, scalar_prefetch = 0 : i64, scratch_operands = 0 : i64, tpu.core_type = #tpu.core_type<tc>, window_params = [{transform_indices = @transform_0, window_bounds = array<i64: 2, 2000, 16>}, {transform_indices = @transform_1, window_bounds = array<i64: 2000, 3>}, {pipeline_mode = #tpu.pipeline_mode<synchronous>, transform_indices = @transform_2, window_bounds = array<i64: 3, 32>}, {transform_indices = @transform_3, window_bounds = array<i64: 2000, 1>}, {transform_indices = @transform_4, window_bounds = array<i64: 2000, 32>}]} {
    %get3A = arith.constant 0 : index
    %get3A_0 = arith.constant 0 : index
    %get3A_1 = arith.constant 0 : index
    %get3A_2 = vector.load %arg1[%get3A, %get3A_0, %get3A_1] : memref<2x2000x16xf32, #tpu.memory_space<vmem>>, vector<1x2000x16xf32>
    %get3A_3 = vector.shape_cast %get3A_2 : vector<1x2000x16xf32> to vector<2000x16xf32>
    %slice3A = vector.extract_strided_slice %get3A_3 {offsets = [0, 0], sizes = [2000, 1], strides = [1, 1]} : vector<2000x16xf32> to vector<2000x1xf32>
    %get3A_4 = arith.constant 1 : index
    %get3A_5 = arith.constant 0 : index
    %get3A_6 = arith.constant 0 : index
    %get3A_7 = vector.load %arg1[%get3A_4, %get3A_5, %get3A_6] : memref<2x2000x16xf32, #tpu.memory_space<vmem>>, vector<1x2000x16xf32>
    %get3A_8 = vector.shape_cast %get3A_7 : vector<1x2000x16xf32> to vector<2000x16xf32>
    %slice3A_9 = vector.extract_strided_slice %get3A_8 {offsets = [0, 0], sizes = [2000, 1], strides = [1, 1]} : vector<2000x16xf32> to vector<2000x1xf32>
    %add3A = arith.addf %slice3A, %slice3A_9 : vector<2000x1xf32>
    %gt3A = arith.constant 0.000000e+00 : f32
    %gt3A_10 = vector.broadcast %gt3A : f32 to vector<2000x1xf32>
    %gt3A_11 = arith.cmpf ogt, %add3A, %gt3A_10 : vector<2000x1xf32>
    %rsqrt3A = math.rsqrt %add3A : vector<2000x1xf32>
    %jit3A = arith.constant 0.000000e+00 : f32
    %broadcast_in_dim3A = vector.broadcast %jit3A : f32 to vector<2000x1xf32>
    %select_n3A = arith.select %gt3A_11, %rsqrt3A, %broadcast_in_dim3A : vector<2000x1xi1>, vector<2000x1xf32>
    %get3A_12 = arith.constant 0 : index
    %get3A_13 = arith.constant 0 : index
    %get3A_14 = vector.load %arg2[%get3A_12, %get3A_13] : memref<2000x3xf32, #tpu.memory_space<vmem>>, vector<2000x3xf32>
    %get3A_15 = arith.constant 0 : index
    %get3A_16 = arith.constant 0 : index
    %get3A_17 = vector.load %arg3[%get3A_15, %get3A_16] : memref<3x32xf32, #tpu.memory_space<vmem>>, vector<3x32xf32>
    %slice3A_18 = vector.extract_strided_slice %get3A_14 {offsets = [0, 0], sizes = [2000, 1], strides = [1, 1]} : vector<2000x3xf32> to vector<2000x1xf32>
    %slice3A_19 = vector.extract_strided_slice %get3A_17 {offsets = [0, 0], sizes = [1, 32], strides = [1, 1]} : vector<3x32xf32> to vector<1x32xf32>
    %mul3A = vector.broadcast %slice3A_18 : vector<2000x1xf32> to vector<2000x32xf32>
    %mul3A_20 = vector.broadcast %slice3A_19 : vector<1x32xf32> to vector<2000x32xf32>
    %mul3A_21 = arith.mulf %mul3A, %mul3A_20 : vector<2000x32xf32>
    %slice3A_22 = vector.extract_strided_slice %get3A_14 {offsets = [0, 1], sizes = [2000, 1], strides = [1, 1]} : vector<2000x3xf32> to vector<2000x1xf32>
    %slice3A_23 = vector.extract_strided_slice %get3A_17 {offsets = [1, 0], sizes = [1, 32], strides = [1, 1]} : vector<3x32xf32> to vector<1x32xf32>
    %mul3A_24 = vector.broadcast %slice3A_22 : vector<2000x1xf32> to vector<2000x32xf32>
    %mul3A_25 = vector.broadcast %slice3A_23 : vector<1x32xf32> to vector<2000x32xf32>
    %mul3A_26 = arith.mulf %mul3A_24, %mul3A_25 : vector<2000x32xf32>
    %add3A_27 = arith.addf %mul3A_21, %mul3A_26 : vector<2000x32xf32>
    %slice3A_28 = vector.extract_strided_slice %get3A_14 {offsets = [0, 2], sizes = [2000, 1], strides = [1, 1]} : vector<2000x3xf32> to vector<2000x1xf32>
    %slice3A_29 = vector.extract_strided_slice %get3A_17 {offsets = [2, 0], sizes = [1, 32], strides = [1, 1]} : vector<3x32xf32> to vector<1x32xf32>
    %mul3A_30 = vector.broadcast %slice3A_28 : vector<2000x1xf32> to vector<2000x32xf32>
    %mul3A_31 = vector.broadcast %slice3A_29 : vector<1x32xf32> to vector<2000x32xf32>
    %mul3A_32 = arith.mulf %mul3A_30, %mul3A_31 : vector<2000x32xf32>
    %add3A_33 = arith.addf %add3A_27, %mul3A_32 : vector<2000x32xf32>
    %swap3A = arith.constant 0 : index
    %swap3A_34 = arith.constant 0 : index
    %swap3A_35 = vector.load %arg4[%swap3A, %swap3A_34] : memref<2000x1xf32, #tpu.memory_space<vmem>>, vector<2000x1xf32>
    tpu.vector_store %arg4[%swap3A, %swap3A_34], %select_n3A {strides = array<i32>} : memref<2000x1xf32, #tpu.memory_space<vmem>>, vector<2000x1xf32>,
    %mul3A_36 = vector.broadcast %select_n3A : vector<2000x1xf32> to vector<2000x32xf32>
    %mul3A_37 = arith.mulf %add3A_33, %mul3A_36 : vector<2000x32xf32>
    %swap3A_38 = arith.constant 0 : index
    %swap3A_39 = arith.constant 0 : index
    %swap3A_40 = vector.load %arg5[%swap3A_38, %swap3A_39] : memref<2000x32xf32, #tpu.memory_space<vmem>>, vector<2000x32xf32>
    tpu.vector_store %arg5[%swap3A_38, %swap3A_39], %mul3A_37 {strides = array<i32>} : memref<2000x32xf32, #tpu.memory_space<vmem>>, vector<2000x32xf32>,
    return
  }
  func.func @transform_0(%arg0: i32) -> (i32, i32, i32) {
    %c0_i32 = arith.constant 0 : i32
    %c0_i32_0 = arith.constant 0 : i32
    %c0_i32_1 = arith.constant 0 : i32
    return %c0_i32, %arg0, %c0_i32_0 : i32, i32, i32
  }
  func.func @transform_1(%arg0: i32) -> (i32, i32) {
    %c0_i32 = arith.constant 0 : i32
    %c0_i32_0 = arith.constant 0 : i32
    return %arg0, %c0_i32 : i32, i32
  }
  func.func @transform_2(%arg0: i32) -> (i32, i32) {
    %c0_i32 = arith.constant 0 : i32
    %c0_i32_0 = arith.constant 0 : i32
    %c0_i32_1 = arith.constant 0 : i32
    return %c0_i32, %c0_i32_0 : i32, i32
  }
  func.func @transform_3(%arg0: i32) -> (i32, i32) {
    %c0_i32 = arith.constant 0 : i32
    %c0_i32_0 = arith.constant 0 : i32
    return %arg0, %c0_i32 : i32, i32
  }
  func.func @transform_4(%arg0: i32) -> (i32, i32) {
    %c0_i32 = arith.constant 0 : i32
    %c0_i32_0 = arith.constant 0 : i32
    return %arg0, %c0_i32 : i32, i32
  }
}

module attributes {stable_mosaic.version = 14 : i64} {
  func.func @_t2_body(%arg0: i32, %arg1: memref<2x2000x32xf32, #tpu.memory_space<vmem>>, %arg2: memref<2000x1xf32, #tpu.memory_space<vmem>>, %arg3: memref<1x32xf32, #tpu.memory_space<vmem>>, %arg4: memref<32x32xf32, #tpu.memory_space<vmem>>, %arg5: memref<2000x32xf32, #tpu.memory_space<vmem>>) attributes {dimension_semantics = [#tpu.dimension_semantics<arbitrary>], iteration_bounds = array<i64: 25>, scalar_prefetch = 0 : i64, scratch_operands = 0 : i64, tpu.core_type = #tpu.core_type<tc>, window_params = [{transform_indices = @transform_0, window_bounds = array<i64: 2, 2000, 32>}, {transform_indices = @transform_1, window_bounds = array<i64: 2000, 1>}, {pipeline_mode = #tpu.pipeline_mode<synchronous>, transform_indices = @transform_2, window_bounds = array<i64: 1, 32>}, {pipeline_mode = #tpu.pipeline_mode<synchronous>, transform_indices = @transform_3, window_bounds = array<i64: 32, 32>}, {transform_indices = @transform_4, window_bounds = array<i64: 2000, 32>}]} {
    %get3A = arith.constant 0 : index
    %get3A_0 = arith.constant 0 : index
    %get3A_1 = arith.constant 0 : index
    %get3A_2 = vector.load %arg1[%get3A, %get3A_0, %get3A_1] : memref<2x2000x32xf32, #tpu.memory_space<vmem>>, vector<1x2000x32xf32>
    %get3A_3 = vector.shape_cast %get3A_2 : vector<1x2000x32xf32> to vector<2000x32xf32>
    %get3A_4 = arith.constant 1 : index
    %get3A_5 = arith.constant 0 : index
    %get3A_6 = arith.constant 0 : index
    %get3A_7 = vector.load %arg1[%get3A_4, %get3A_5, %get3A_6] : memref<2x2000x32xf32, #tpu.memory_space<vmem>>, vector<1x2000x32xf32>
    %get3A_8 = vector.shape_cast %get3A_7 : vector<1x2000x32xf32> to vector<2000x32xf32>
    %add3A = arith.addf %get3A_3, %get3A_8 : vector<2000x32xf32>
    %get3A_9 = arith.constant 0 : index
    %get3A_10 = arith.constant 0 : index
    %get3A_11 = vector.load %arg2[%get3A_9, %get3A_10] : memref<2000x1xf32, #tpu.memory_space<vmem>>, vector<2000x1xf32>
    %mul3A = vector.broadcast %get3A_11 : vector<2000x1xf32> to vector<2000x32xf32>
    %mul3A_12 = arith.mulf %add3A, %mul3A : vector<2000x32xf32>
    %get3A_13 = arith.constant 0 : index
    %get3A_14 = arith.constant 0 : index
    %get3A_15 = vector.load %arg3[%get3A_13, %get3A_14] : memref<1x32xf32, #tpu.memory_space<vmem>>, vector<1x32xf32>
    %add3A_16 = vector.broadcast %get3A_15 : vector<1x32xf32> to vector<2000x32xf32>
    %add3A_17 = arith.addf %mul3A_12, %add3A_16 : vector<2000x32xf32>
    %max3A = arith.constant 0.000000e+00 : f32
    %max3A_18 = vector.broadcast %max3A : f32 to vector<2000x32xf32>
    %max3A_19 = arith.maximumf %add3A_17, %max3A_18 : vector<2000x32xf32>
    %get3A_20 = arith.constant 0 : index
    %get3A_21 = arith.constant 0 : index
    %get3A_22 = vector.load %arg4[%get3A_20, %get3A_21] : memref<32x32xf32, #tpu.memory_space<vmem>>, vector<32x32xf32>
    %dot_general3A = arith.constant dense<0.000000e+00> : vector<2000x32xf32>
    %dot_general3A_23 = tpu.matmul %max3A_19, %get3A_22, %dot_general3A {dimension_numbers = #tpu.dot_dimension_numbers<[1], [0], [0], [1], [0, 0, 1, 1], [], []>, precision = #tpu.contract_precision<fp32>, transpose_lhs_hint = false} : vector<2000x32xf32>, vector<32x32xf32>, vector<2000x32xf32> -> vector<2000x32xf32>
    %mul3A_24 = vector.broadcast %get3A_11 : vector<2000x1xf32> to vector<2000x32xf32>
    %mul3A_25 = arith.mulf %dot_general3A_23, %mul3A_24 : vector<2000x32xf32>
    %swap3A = arith.constant 0 : index
    %swap3A_26 = arith.constant 0 : index
    %swap3A_27 = vector.load %arg5[%swap3A, %swap3A_26] : memref<2000x32xf32, #tpu.memory_space<vmem>>, vector<2000x32xf32>
    tpu.vector_store %arg5[%swap3A, %swap3A_26], %mul3A_25 {strides = array<i32>} : memref<2000x32xf32, #tpu.memory_space<vmem>>, vector<2000x32xf32>,
    return
  }
  func.func @transform_0(%arg0: i32) -> (i32, i32, i32) {
    %c0_i32 = arith.constant 0 : i32
    %c0_i32_0 = arith.constant 0 : i32
    %c0_i32_1 = arith.constant 0 : i32
    return %c0_i32, %arg0, %c0_i32_0 : i32, i32, i32
  }
  func.func @transform_1(%arg0: i32) -> (i32, i32) {
    %c0_i32 = arith.constant 0 : i32
    %c0_i32_0 = arith.constant 0 : i32
    return %arg0, %c0_i32 : i32, i32
  }
  func.func @transform_2(%arg0: i32) -> (i32, i32) {
    %c0_i32 = arith.constant 0 : i32
    %c0_i32_0 = arith.constant 0 : i32
    %c0_i32_1 = arith.constant 0 : i32
    return %c0_i32, %c0_i32_0 : i32, i32
  }
  func.func @transform_3(%arg0: i32) -> (i32, i32) {
    %c0_i32 = arith.constant 0 : i32
    %c0_i32_0 = arith.constant 0 : i32
    %c0_i32_1 = arith.constant 0 : i32
    return %c0_i32, %c0_i32_0 : i32, i32
  }
  func.func @transform_4(%arg0: i32) -> (i32, i32) {
    %c0_i32 = arith.constant 0 : i32
    %c0_i32_0 = arith.constant 0 : i32
    return %arg0, %c0_i32 : i32, i32
  }
}

module attributes {stable_mosaic.version = 14 : i64} {
  func.func @_t3_body(%arg0: i32, %arg1: memref<2x2000x32xf32, #tpu.memory_space<vmem>>, %arg2: memref<2000x1xf32, #tpu.memory_space<vmem>>, %arg3: memref<1x32xf32, #tpu.memory_space<vmem>>, %arg4: memref<32x1xf32, #tpu.memory_space<vmem>>, %arg5: memref<1x1xf32, #tpu.memory_space<vmem>>, %arg6: memref<32x1xf32, #tpu.memory_space<vmem>>, %arg7: memref<1x1xf32, #tpu.memory_space<vmem>>, %arg8: memref<32x8xf32, #tpu.memory_space<vmem>>, %arg9: memref<1x8xf32, #tpu.memory_space<vmem>>, %arg10: memref<2000x1xf32, #tpu.memory_space<vmem>>, %arg11: memref<2000x1xf32, #tpu.memory_space<vmem>>, %arg12: memref<1x8xf32, #tpu.memory_space<vmem>>) attributes {dimension_semantics = [#tpu.dimension_semantics<arbitrary>], iteration_bounds = array<i64: 25>, scalar_prefetch = 0 : i64, scratch_operands = 0 : i64, tpu.core_type = #tpu.core_type<tc>, window_params = [{transform_indices = @transform_0, window_bounds = array<i64: 2, 2000, 32>}, {transform_indices = @transform_1, window_bounds = array<i64: 2000, 1>}, {pipeline_mode = #tpu.pipeline_mode<synchronous>, transform_indices = @transform_2, window_bounds = array<i64: 1, 32>}, {pipeline_mode = #tpu.pipeline_mode<synchronous>, transform_indices = @transform_3, window_bounds = array<i64: 32, 1>}, {pipeline_mode = #tpu.pipeline_mode<synchronous>, transform_indices = @transform_4, window_bounds = array<i64: 1, 1>}, {pipeline_mode = #tpu.pipeline_mode<synchronous>, transform_indices = @transform_5, window_bounds = array<i64: 32, 1>}, {pipeline_mode = #tpu.pipeline_mode<synchronous>, transform_indices = @transform_6, window_bounds = array<i64: 1, 1>}, {pipeline_mode = #tpu.pipeline_mode<synchronous>, transform_indices = @transform_7, window_bounds = array<i64: 32, 8>}, {pipeline_mode = #tpu.pipeline_mode<synchronous>, transform_indices = @transform_8, window_bounds = array<i64: 1, 8>}, {transform_indices = @transform_9, window_bounds = array<i64: 2000, 1>}, {transform_indices = @transform_10, window_bounds = array<i64: 2000, 1>}, {pipeline_mode = #tpu.pipeline_mode<synchronous>, transform_indices = @transform_11, window_bounds = array<i64: 1, 8>}]} {
    %get3A = arith.constant 0 : index
    %get3A_0 = arith.constant 0 : index
    %get3A_1 = arith.constant 0 : index
    %get3A_2 = vector.load %arg1[%get3A, %get3A_0, %get3A_1] : memref<2x2000x32xf32, #tpu.memory_space<vmem>>, vector<1x2000x32xf32>
    %get3A_3 = vector.shape_cast %get3A_2 : vector<1x2000x32xf32> to vector<2000x32xf32>
    %get3A_4 = arith.constant 1 : index
    %get3A_5 = arith.constant 0 : index
    %get3A_6 = arith.constant 0 : index
    %get3A_7 = vector.load %arg1[%get3A_4, %get3A_5, %get3A_6] : memref<2x2000x32xf32, #tpu.memory_space<vmem>>, vector<1x2000x32xf32>
    %get3A_8 = vector.shape_cast %get3A_7 : vector<1x2000x32xf32> to vector<2000x32xf32>
    %add3A = arith.addf %get3A_3, %get3A_8 : vector<2000x32xf32>
    %get3A_9 = arith.constant 0 : index
    %get3A_10 = arith.constant 0 : index
    %get3A_11 = vector.load %arg2[%get3A_9, %get3A_10] : memref<2000x1xf32, #tpu.memory_space<vmem>>, vector<2000x1xf32>
    %mul3A = vector.broadcast %get3A_11 : vector<2000x1xf32> to vector<2000x32xf32>
    %mul3A_12 = arith.mulf %add3A, %mul3A : vector<2000x32xf32>
    %get3A_13 = arith.constant 0 : index
    %get3A_14 = arith.constant 0 : index
    %get3A_15 = vector.load %arg3[%get3A_13, %get3A_14] : memref<1x32xf32, #tpu.memory_space<vmem>>, vector<1x32xf32>
    %add3A_16 = vector.broadcast %get3A_15 : vector<1x32xf32> to vector<2000x32xf32>
    %add3A_17 = arith.addf %mul3A_12, %add3A_16 : vector<2000x32xf32>
    %max3A = arith.constant 0.000000e+00 : f32
    %max3A_18 = vector.broadcast %max3A : f32 to vector<2000x32xf32>
    %max3A_19 = arith.maximumf %add3A_17, %max3A_18 : vector<2000x32xf32>
    %get3A_20 = arith.constant 0 : index
    %get3A_21 = arith.constant 0 : index
    %get3A_22 = vector.load %arg4[%get3A_20, %get3A_21] : memref<32x1xf32, #tpu.memory_space<vmem>>, vector<32x1xf32>
    %dot_general3A = arith.constant dense<0.000000e+00> : vector<2000x1xf32>
    %dot_general3A_23 = tpu.matmul %max3A_19, %get3A_22, %dot_general3A {dimension_numbers = #tpu.dot_dimension_numbers<[1], [0], [0], [1], [0, 0, 1, 1], [], []>, precision = #tpu.contract_precision<fp32>, transpose_lhs_hint = false} : vector<2000x32xf32>, vector<32x1xf32>, vector<2000x1xf32> -> vector<2000x1xf32>
    %get3A_24 = arith.constant 0 : index
    %get3A_25 = arith.constant 0 : index
    %get3A_26 = vector.load %arg5[%get3A_24, %get3A_25] : memref<1x1xf32, #tpu.memory_space<vmem>>, vector<1x1xf32>
    %add3A_27 = vector.broadcast %get3A_26 : vector<1x1xf32> to vector<2000x1xf32>
    %add3A_28 = arith.addf %dot_general3A_23, %add3A_27 : vector<2000x1xf32>
    %swap3A = arith.constant 0 : index
    %swap3A_29 = arith.constant 0 : index
    %swap3A_30 = vector.load %arg10[%swap3A, %swap3A_29] : memref<2000x1xf32, #tpu.memory_space<vmem>>, vector<2000x1xf32>
    tpu.vector_store %arg10[%swap3A, %swap3A_29], %add3A_28 {strides = array<i32>} : memref<2000x1xf32, #tpu.memory_space<vmem>>, vector<2000x1xf32>,
    %get3A_31 = arith.constant 0 : index
    %get3A_32 = arith.constant 0 : index
    %get3A_33 = vector.load %arg6[%get3A_31, %get3A_32] : memref<32x1xf32, #tpu.memory_space<vmem>>, vector<32x1xf32>
    %dot_general3A_34 = arith.constant dense<0.000000e+00> : vector<2000x1xf32>
    %dot_general3A_35 = tpu.matmul %max3A_19, %get3A_33, %dot_general3A_34 {dimension_numbers = #tpu.dot_dimension_numbers<[1], [0], [0], [1], [0, 0, 1, 1], [], []>, precision = #tpu.contract_precision<fp32>, transpose_lhs_hint = false} : vector<2000x32xf32>, vector<32x1xf32>, vector<2000x1xf32> -> vector<2000x1xf32>
    %get3A_36 = arith.constant 0 : index
    %get3A_37 = arith.constant 0 : index
    %get3A_38 = vector.load %arg7[%get3A_36, %get3A_37] : memref<1x1xf32, #tpu.memory_space<vmem>>, vector<1x1xf32>
    %add3A_39 = vector.broadcast %get3A_38 : vector<1x1xf32> to vector<2000x1xf32>
    %add3A_40 = arith.addf %dot_general3A_35, %add3A_39 : vector<2000x1xf32>
    %swap3A_41 = arith.constant 0 : index
    %swap3A_42 = arith.constant 0 : index
    %swap3A_43 = vector.load %arg11[%swap3A_41, %swap3A_42] : memref<2000x1xf32, #tpu.memory_space<vmem>>, vector<2000x1xf32>
    tpu.vector_store %arg11[%swap3A_41, %swap3A_42], %add3A_40 {strides = array<i32>} : memref<2000x1xf32, #tpu.memory_space<vmem>>, vector<2000x1xf32>,
    %eq3A = arith.constant 24 : i32
    %eq3A_44 = arith.cmpi eq, %arg0, %eq3A : i32
    %convert_element_type3A = arith.extui %eq3A_44 : i1 to i32
    %cond3A = arith.constant 0 : i32
    %cond3A_45 = arith.cmpi ne, %convert_element_type3A, %cond3A : i32
    scf.if %cond3A_45 {
      %slice3A = vector.extract_strided_slice %max3A_19 {offsets = [1999, 0], sizes = [1, 32], strides = [1, 1]} : vector<2000x32xf32> to vector<1x32xf32>
      %get3A_46 = arith.constant 0 : index
      %get3A_47 = arith.constant 0 : index
      %get3A_48 = vector.load %arg8[%get3A_46, %get3A_47] : memref<32x8xf32, #tpu.memory_space<vmem>>, vector<32x8xf32>
      %dot_general3A_49 = arith.constant dense<0.000000e+00> : vector<1x8xf32>
      %dot_general3A_50 = tpu.matmul %slice3A, %get3A_48, %dot_general3A_49 {dimension_numbers = #tpu.dot_dimension_numbers<[1], [0], [0], [1], [0, 0, 1, 1], [], []>, precision = #tpu.contract_precision<fp32>, transpose_lhs_hint = false} : vector<1x32xf32>, vector<32x8xf32>, vector<1x8xf32> -> vector<1x8xf32>
      %get3A_51 = arith.constant 0 : index
      %get3A_52 = arith.constant 0 : index
      %get3A_53 = vector.load %arg9[%get3A_51, %get3A_52] : memref<1x8xf32, #tpu.memory_space<vmem>>, vector<1x8xf32>
      %add3A_54 = arith.addf %dot_general3A_50, %get3A_53 : vector<1x8xf32>
      %swap3A_55 = arith.constant 0 : index
      %swap3A_56 = arith.constant 0 : index
      %swap3A_57 = vector.load %arg12[%swap3A_55, %swap3A_56] : memref<1x8xf32, #tpu.memory_space<vmem>>, vector<1x8xf32>
      tpu.vector_store %arg12[%swap3A_55, %swap3A_56], %add3A_54 {strides = array<i32>} : memref<1x8xf32, #tpu.memory_space<vmem>>, vector<1x8xf32>,
    } else {
    }
    return
  }
  func.func @transform_0(%arg0: i32) -> (i32, i32, i32) {
    %c0_i32 = arith.constant 0 : i32
    %c0_i32_0 = arith.constant 0 : i32
    %c0_i32_1 = arith.constant 0 : i32
    return %c0_i32, %arg0, %c0_i32_0 : i32, i32, i32
  }
  func.func @transform_1(%arg0: i32) -> (i32, i32) {
    %c0_i32 = arith.constant 0 : i32
    %c0_i32_0 = arith.constant 0 : i32
    return %arg0, %c0_i32 : i32, i32
  }
  func.func @transform_2(%arg0: i32) -> (i32, i32) {
    %c0_i32 = arith.constant 0 : i32
    %c0_i32_0 = arith.constant 0 : i32
    %c0_i32_1 = arith.constant 0 : i32
    return %c0_i32, %c0_i32_0 : i32, i32
  }
  func.func @transform_3(%arg0: i32) -> (i32, i32) {
    %c0_i32 = arith.constant 0 : i32
    %c0_i32_0 = arith.constant 0 : i32
    %c0_i32_1 = arith.constant 0 : i32
    return %c0_i32, %c0_i32_0 : i32, i32
  }
  func.func @transform_4(%arg0: i32) -> (i32, i32) {
    %c0_i32 = arith.constant 0 : i32
    %c0_i32_0 = arith.constant 0 : i32
    %c0_i32_1 = arith.constant 0 : i32
    return %c0_i32, %c0_i32_0 : i32, i32
  }
  func.func @transform_5(%arg0: i32) -> (i32, i32) {
    %c0_i32 = arith.constant 0 : i32
    %c0_i32_0 = arith.constant 0 : i32
    %c0_i32_1 = arith.constant 0 : i32
    return %c0_i32, %c0_i32_0 : i32, i32
  }
  func.func @transform_6(%arg0: i32) -> (i32, i32) {
    %c0_i32 = arith.constant 0 : i32
    %c0_i32_0 = arith.constant 0 : i32
    %c0_i32_1 = arith.constant 0 : i32
    return %c0_i32, %c0_i32_0 : i32, i32
  }
  func.func @transform_7(%arg0: i32) -> (i32, i32) {
    %c0_i32 = arith.constant 0 : i32
    %c0_i32_0 = arith.constant 0 : i32
    %c0_i32_1 = arith.constant 0 : i32
    return %c0_i32, %c0_i32_0 : i32, i32
  }
  func.func @transform_8(%arg0: i32) -> (i32, i32) {
    %c0_i32 = arith.constant 0 : i32
    %c0_i32_0 = arith.constant 0 : i32
    %c0_i32_1 = arith.constant 0 : i32
    return %c0_i32, %c0_i32_0 : i32, i32
  }
  func.func @transform_9(%arg0: i32) -> (i32, i32) {
    %c0_i32 = arith.constant 0 : i32
    %c0_i32_0 = arith.constant 0 : i32
    return %arg0, %c0_i32 : i32, i32
  }
  func.func @transform_10(%arg0: i32) -> (i32, i32) {
    %c0_i32 = arith.constant 0 : i32
    %c0_i32_0 = arith.constant 0 : i32
    return %arg0, %c0_i32 : i32, i32
  }
  func.func @transform_11(%arg0: i32) -> (i32, i32) {
    %c0_i32 = arith.constant 0 : i32
    %c0_i32_0 = arith.constant 0 : i32
    %c0_i32_1 = arith.constant 0 : i32
    return %c0_i32, %c0_i32_0 : i32, i32
  }
}

</mosaic_0001>

<sc_bundles>
// kernel: kernel.11.cloned.1.call-start
scs
__scs_entry_jumppad:
0x0: {  	(pc) =	sbr.rel $0x88, $3  }
0x1: {  	(tag) =	ssettag $0x0;
	lr =	simm.s32 $0x1  }
0x2: {  	[smem:$0x3F95] =	sst lr;
	_ =	strace $0xD0000000  }
0x3: {  	_ = 	snop  }
0x4: {  	_ = 	snop  }
0x5: {  	_ = 	snop  }
0x6: {  	_ = 	snop  }
0x7: {  	_ = 	snop  }
__scs_overlays_trampoline_lowered:
0x8: {  	[smem:$0x3FA4] =	sst s0  }
0x9: {  	[smem:$0x3FA5] =	sst s1  }
0xa: {  	[smem:$0x3FA6] =	sst s2  }
0xb: {  	[smem:$0x3FA7] =	sst s3  }
0xc: {  	[smem:$0x3FA8] =	sst s4  }
0xd: {  	[smem:$0x3FA9] =	sst s5  }
0xe: {  	[smem:$0x3FAA] =	sst s6  }
0xf: {  	[smem:$0x3FAB] =	sst s7  }
0x10: {  	[smem:$0x3FAC] =	sst s8  }
0x11: {  	[smem:$0x3FAD] =	sst s9;
	s0 =	simm.s32 @!p0 $0x0  }
0x12: {  	s1 =	sld [smem:$0x3F93];
	s0 =	simm.s32 @p0 $0x1  }
0x13: {  	[smem:$0x3FAE] =	sst s0;
	s0 =	simm.s32 @!p1 $0x0  }
0x14: {  	s2 =	sld [smem:$0x3F92];
	s0 =	simm.s32 @p1 $0x1  }
0x15: {  	[smem:$0x3FAF] =	sst s0;
	s0 =	simm.s32 @!p2 $0x0  }
0x16: {  	s3 =	sld [smem:$0x3FDB];
	s0 =	simm.s32 @p2 $0x1  }
0x17: {  	s4 =	simm.s32 $0x1BF5;
	[smem:$0x3FB1] =	sst s0  }
0x18: {  	s0 =	sld [smem:$0x3F94];
	_ =	swait.ge [sflag:s4], $0x0  }
0x19: {  	s7 =	sld [smem:$0x3F95]  }
0x1a: {  	s8 =	sadd.s32 $0xFFFFE003, lr  }
0x1b: {  	s9 =	sadd.s32 $0xFFFFFEF7, lr;
	s5 =	simm.s32 $0xFFFFFFFF;
	p2 =	slt.u32 s8, $0xFFFFF086  }
0x1c: {  	p1 =	slt.u32 s9, $0xF7A;
	s5 =	simm.s32 @!p2 $0x0  }
0x1d: {  	s5 =	simm.s32 @p1 $0x1;
	p0 =	seq.s32 s7, s2  }
0x1e: {  	s7 =	smul.u32 @!p0 $0xF7A, s2;
	p2 =	seq.s32 @!p0 s5, $0x0  }
0x1f: {  	s9 =	smul.u32 $0xF7A, s1;
	s8 =	simm.s32 @!p0 $0x1BF5;
	p2 =	por !p2, p0  }
0x20: {  	[sflag:s8] =	ssyncset.s32 @!p0 $0xFFFFF086;
	s6 =	sadd.s32 @!p0 s3, s7;
	s7 =	simm.s32 @!p0 $0x108  }
0x21: {  	s3 =	sadd.s32 s3, s9;
	s6 =	sadd.s32 @!p0 $0x88, s6;
	s7 =	simm.s32 @p2 $0x1082  }
0x22: {  	[simem:s7], [sflag:s8] =	dma.local @!p0 [hbm:s6], $0xF7A  }
0x23: {  	s9 =	sor.u32 $0xD0000000, s2;
	s6 =	simm.s32 $0x108;
	_ =	swait.ge @!p0 [sflag:s8], $0x0  }
0x24: {  	s3 =	sadd.s32 $0x88, s3;
	s6 =	simm.s32 @!p1 $0x1082;
	[sflag:s4] =	ssyncset.s32 $0xFFFFF086  }
0x25: {  	[simem:s6], [sflag:s4] =	dma.local [hbm:s3], $0xF7A  }
0x26: {  	[smem:$0x3F95] =	sst s1;
	(tag) =	ssettag s2;
	_ =	strace s9  }
0x27: {  	s1 =	sld [smem:$0x3FA5]  }
0x28: {  	s2 =	sld [smem:$0x3FA6]  }
0x29: {  	s4 =	sld [smem:$0x3FA8]  }
0x2a: {  	p0 =	seq.s32 s5, $0x0;
	s5 =	sld [smem:$0x3FA9]  }
0x2b: {  	s6 =	sld [smem:$0x3FAA]  }
0x2c: {  	s7 =	sld [smem:$0x3FAB]  }
0x2d: {  	s3 =	simm.s32 $0x108;
	s8 =	sld [smem:$0x3FAC]  }
0x2e: {  	s3 =	simm.s32 @!p0 $0x1082;
	s9 =	sld [smem:$0x3FAD]  }
0x2f: {  	lr =	sadd.s32 s0, s3;
	s0 =	sld [smem:$0x3FA4]  }
0x30: {  	s3 =	sld [smem:$0x3FA7]  }
0x31: {  	[smem:$0x3FB0] =	sst s10  }
0x32: {  	s10 =	sld [smem:$0x3FAE];
	_ =	sdelay $0x3  }
0x33: {  	p0 =	seq.s32 s10, $0x1;
	s10 =	sld [smem:$0x3FB0];
	_ =	sdelay $0x3  }
0x34: {  	[smem:$0x3FB0] =	sst s10  }
0x35: {  	s10 =	sld [smem:$0x3FAF];
	_ =	sdelay $0x3  }
0x36: {  	p1 =	seq.s32 s10, $0x1;
	s10 =	sld [smem:$0x3FB0];
	_ =	sdelay $0x3  }
0x37: {  	[smem:$0x3FB0] =	sst s10  }
0x38: {  	s10 =	sld [smem:$0x3FB1]  }
0x39: {  	_ = 	snop;
	(pc) =	sbr.ind lr, $3  }
0x3a: {  	_ = 	snop  }
0x3b: {  	_ = 	snop  }
0x3c: {  	p2 =	seq.s32 s10, $0x1;
	s10 =	sld [smem:$0x3FB0]  }
0x3d: {  	_ =	shalt  }
0x3e: {  	_ =	shalt  }
0x3f: {  	_ =	shalt  }
0x40: {  	_ =	shalt  }
0x41: {  	_ =	shalt  }
0x42: {  	_ =	shalt  }
0x43: {  	_ =	shalt  }
0x44: {  	_ =	shalt  }
0x45: {  	_ =	shalt  }
0x46: {  	_ =	shalt  }
0x47: {  	_ =	shalt  }
0x48: {  	_ =	shalt  }
0x49: {  	_ =	shalt  }
0x4a: {  	_ =	shalt  }
0x4b: {  	_ =	shalt  }
0x4c: {  	_ =	shalt  }
0x4d: {  	_ =	shalt  }
0x4e: {  	_ =	shalt  }
0x4f: {  	_ =	shalt  }
0x50: {  	_ =	shalt  }
0x51: {  	_ =	shalt  }
0x52: {  	_ =	shalt  }
0x53: {  	_ =	shalt  }
0x54: {  	_ =	shalt  }
0x55: {  	_ =	shalt  }
0x56: {  	_ =	shalt  }
0x57: {  	_ =	shalt  }
0x58: {  	_ =	shalt  }
0x59: {  	_ =	shalt  }
0x5a: {  	_ =	shalt  }
0x5b: {  	_ =	shalt  }
0x5c: {  	_ =	shalt  }
0x5d: {  	_ =	shalt  }
0x5e: {  	_ =	shalt  }
0x5f: {  	_ =	shalt  }
0x60: {  	_ =	shalt  }
0x61: {  	_ =	shalt  }
0x62: {  	_ =	shalt  }
0x63: {  	_ =	shalt  }
0x64: {  	_ =	shalt  }
0x65: {  	_ =	shalt  }
0x66: {  	_ =	shalt  }
0x67: {  	_ =	shalt  }
0x68: {  	_ =	shalt  }
0x69: {  	_ =	shalt  }
0x6a: {  	_ =	shalt  }
0x6b: {  	_ =	shalt  }
0x6c: {  	_ =	shalt  }
0x6d: {  	_ =	shalt  }
0x6e: {  	_ =	shalt  }
0x6f: {  	_ =	shalt  }
0x70: {  	_ =	shalt  }
0x71: {  	_ =	shalt  }
0x72: {  	_ =	shalt  }
0x73: {  	_ =	shalt  }
0x74: {  	_ =	shalt  }
0x75: {  	_ =	shalt  }
0x76: {  	_ =	shalt  }
0x77: {  	_ =	shalt  }
0x78: {  	_ =	shalt  }
0x79: {  	_ =	shalt  }
0x7a: {  	_ =	shalt  }
0x7b: {  	_ =	shalt  }
0x7c: {  	_ =	shalt  }
0x7d: {  	_ =	shalt  }
0x7e: {  	_ =	shalt  }
0x7f: {  	_ =	shalt  }
0x80: {  	_ =	shalt  }
0x81: {  	_ =	shalt  }
0x82: {  	_ =	shalt  }
0x83: {  	_ =	shalt  }
0x84: {  	_ =	shalt  }
0x85: {  	_ =	shalt  }
0x86: {  	_ =	shalt  }
0x87: {  	_ =	shalt  }
.Lfunc_end0:
.L_simem_size_0:
called_computation.1_lowered:
.L_overlay_start_0:
0x88: {  	s2 =	sld [smem:$0x3FD9]  }
0x89: {  	s3 =	sld [smem:$0x3FFE];
	_ =	sdelay $0x1  }
0x8a: {  	s1 =	srdreg.scid  }
0x8b: {  	s0 =	sand.u32 $0x1, s1  }
0x8c: {  	s16 =	sshll.u32 s0, $0xA;
	s2 =	sadd.s32 s3, s2  }
0x8d: {  	s2 =	sadd.s32 s2, s16  }
0x8e: {  	[smem:$0x3FBC] =	sst s2  }
0x8f: {  	_ = 	snop  }
0x90: {  	(tm) =	ssettm $0x1  }
0x91: {  	s17 =	sld [smem:$0x3FFB];
	_ =	sdelay $0x3  }
0x92: {  	_ =	strace s17  }
0x93: {  	s2 =	sld [smem:$0x3FFC];
	_ =	sdelay $0x3  }
0x94: {  	_ =	strace s2  }
0x95: {  	s2 =	sld [smem:$0x3FFD];
	_ =	sdelay $0x3  }
0x96: {  	_ =	strace s2  }
0x97: {  	_ =	strace $0x8FFFFFFF  }
0x98: {  	s18 =	sld [smem:$0x3FDB];
	_ =	sdelay $0x1  }
0x99: {  	s19 =	simm.s32 $_scs_section_size  }
0x9a: {  	s4 =	simm.s32 $_size__tile_overlayer_lowered;
	s5 =	simm.s32 $_tile_overlayer_lowered  }
0x9b: {  	s22 =	simm.s32 $0x1BFF;
	s21 =	sshll.u32 s5, $0x1;
	s2 =	sadd.s32 s19, s18  }
0x9c: {  	s6 =	simm.s32 $0x0;
	s20 =	sshll.u32 s4, $0x1;
	s4 =	sadd.s32 s21, s2  }
0x9d: {  	[timem:s6], [sflag:s22] =	dma.local [hbm:s4], s20  }
0x9e: {  	_ =	swait.ge [sflag:s22], s20  }
0x9f: {  	s3 =	ssub.s32 $0x0, s20;
	[sflag:s22] =	ssyncset.done $0x0  }
0xa0: {  	[sflag:s22] =	ssyncadd.s32 s3;
	_ =	sdelay $0x1  }
0xa1: {  	s23 =	simm.s32 $0x1B8B  }
0xa2: {  	_ =	swait.ge [sflag:s23], $0x1  }
0xa3: {  	[sflag:s23] =	ssyncset.done $0x0  }
0xa4: {  	s25 =	simm.s32 $0x1B8E;
	s24 =	sld [smem:$0x3FFE];
	[sflag:s23] =	ssyncadd.s32 $0xFFFFFFFF  }
0xa5: {  	s26 =	simm.s32 $execute0_lowered;
	[smem:$0x3FD2] =	sst s25  }
0xa6: {  	s4 =	sshll.u32 s26, $0x1;
	_ =	strace $0x80000049;
	[dreg:$0x1] =	wrdreg $0xFFFFFFFF  }
0xa7: {  	s28 =	simm.s32 $_size_execute0_lowered;
	s2 =	sadd.s32 s2, s4;
	[dreg:$0x0] =	wrdreg $0x0  }
0xa8: {  	s4 =	sshll.u32 s28, $0x1;
	[dreg:$0x2] =	wrdreg s2  }
0xa9: {  	[dreg:$0x3] =	wrdreg s4  }
0xaa: {  	[dreg:$0x4] =	wrdreg $0xC0  }
0xab: {  	_ =	task [dreg:s6], $0x5FFFF  }
0xac: {  	[dreg:$0x1] =	wrdreg $0xFFFFFFFF  }
0xad: {  	[dreg:$0x0] =	wrdreg $0x60  }
0xae: {  	[dreg:$0x2] =	wrdreg s24  }
0xaf: {  	[dreg:$0x3] =	wrdreg $0x0  }
0xb0: {  	[dreg:$0x4] =	wrdreg $0x9  }
0xb1: {  	_ =	task.clear_ibuf [dreg:s6], $0x5FFFF;
	_ =	strace $0x90000049  }
0xb2: {  	s29 =	simm.s32 $0x9;
	_ =	strace $0x8000004B  }
0xb3: {  	_ =	swait.ge [sflag:s29], $0x1  }
0xb4: {  	[sflag:s29] =	ssyncadd.s32 $0xFFFFFFFF  }
0xb5: {  	_ =	strace $0x9000004B  }
0xb6: {  	_ =	sfence  }
0xb7: {  	s30 =	sld [smem:$0x0];
	_ =	sdelay $0x2  }
0xb8: {  	s31 =	sshll.u32 s1, $0xD;
	s1 =	sshrl.u32 s1, $0x2  }
0xb9: {  	s3 =	sand.u32 $0x4000, s31;
	s1 =	sadd.s32 s1, s30  }
0xba: {  	s0 =	sor.u32 s3, s0;
	s1 =	sshll.u32 s1, $0x11  }
0xbb: {  	s0 =	sor.u32 s1, s0  }
0xbc: {  	s0 =	sadd.s32 $0x8F2B, s0  }
0xbd: {  	[sflag:s0] =	ssyncadd.remote.s32 $0x1  }
0xbe: {  	_ =	sfence.sel $0xFFFF  }
0xbf: {  	[dreg:$0x0] =	wrdreg $0xFFFFFFFF;
	(pc) =	sbr.abs _section_cstart, $3  }
0xc0: {  	[dreg:$0x1] =	wrdreg $0xFFFFFFFF  }
0xc1: {  	_ =	task.clear_ibuf [dreg:s6], $0x2FFFF;
	_ =	strace $0x9FFFFFFF  }
0xc2: {  	(tm) =	ssettm $0x7FFFFFFF  }
0xc3: {  	_ =	shalt  }
tec
execute0_lowered:
.L_overlay_start_1:
0x0: {  	(tag) =	ssettag $0x1  }
0x1: {  	s0 =	rddreg [dreg:$0x0]  }
0x2: {  	s2 =	rddreg [dreg:$0x1]  }
0x3: {  	s3 =	simm.s32 $0x0;
	s13 =	stileid.u32;
	s4 =	srdreg.scid  }
0x4: {  	s28 =	simm.s32 $0x189C0;
	s29 =	simm.s32 $0x2;
	s30 =	simm.s32 $0x4  }
0x5: {  	s31 =	simm.s32 $0x1A2C0;
	[smem:$0x7FF] =	sst s3;
	s1 =	smul.u32 $0x186A0, s13  }
0x6: {  	s7 =	sand.u32 $0x1, s4;
	s4 =	sadd.s32 $0x62C00, s0;
	s5 =	sadd.s32 $0x1000, s0  }
0x7: {  	s6 =	sadd.s32 $0x31E00, s0;
	s17 =	sshll.u32 s13, $0x6;
	s18 =	smul.u32 $0xC350, s13  }
0x8: {  	_ =	strace $0x8000004A;
	s9 =	smul.u32 $0x186A00, s7;
	s10 =	ssub.s32 $0x2, s7  }
0x9: {  	s11 =	sshll.u32 s7, $0x4;
	s7 =	smul.u32 $0xC3500, s7;
	s8 =	sshrl.u32 s1, $0x3  }
0xa: {  	s12 =	sshrl.u32 s10, $0x1;
	s11 =	sor.u32 s13, s11;
	s13 =	sor.u32 $0x1C09, s17  }
0xb: {  	s8 =	sadd.s32 s8, s0;
	s9 =	sadd.s32 s1, s9;
	s15 =	ssub.s32 s10, s12  }
0xc: {  	s16 =	smul.u32 $0xC350, s11;
	s1 =	sadd.s32 s1, s2;
	s7 =	sadd.s32 s18, s7  }
0xd: {  	s9 =	sshrl.u32 s9, $0x3;
	s8 =	sadd.s32 $0x93A00, s8;
	s23 =	sadd.s32 $0x258, s7  }
0xe: {  	s24 =	smax.u32 s15, $0x1;
	s26 =	sadd.s32 $0x190, s7;
	s18 =	sshrl.u32 s1, $0x3  }
0xf: {  	s1 =	simm.s32 $0x6;
	s7 =	simm.s32 $0x7;
	[dreg:$0x3] =	wrdreg s8  }
0x10: {  	s0 =	sadd.s32 s9, s0;
	s11 =	sshrl.u32 s16, $0x3;
	[dreg:$0x9] =	wrdreg s24  }
0x11: {  	s10 =	sadd.s32 $0xC8, s16;
	s25 =	sshrl.u32 s23, $0x3;
	[dreg:$0xa] =	wrdreg s26  }
0x12: {  	s23 =	simm.s32 $0x188F8;
	s24 =	simm.s32 $0x1;
	s26 =	simm.s32 $0xC8  }
0x13: {  	s9 =	simm.s32 $0x8;
	s19 =	sadd.s32 s5, s11;
	s20 =	sadd.s32 s6, s11  }
0x14: {  	s10 =	sshrl.u32 s10, $0x3;
	s0 =	sadd.s32 $0xC4800, s0;
	s15 =	sadd.s32 s25, s6  }
0x15: {  	s16 =	sadd.s32 s25, s5;
	s25 =	simm.s32 $0x3;
	[dreg:$0x4] =	wrdreg s19  }
0x16: {  	[dreg:$0x5] =	wrdreg s20;
	s21 =	sadd.s32 s5, s10;
	s22 =	sadd.s32 s6, s10  }
0x17: {  	[dreg:$0x8] =	wrdreg s0;
	s19 =	simm.s32 $0x9;
	s20 =	simm.s32 $0x186A0  }
0x18: {  	s0 =	simm.s32 $0x5;
	s10 =	simm.s32 $0x0;
	[dreg:$0x6] =	wrdreg s21  }
0x19: {  	[dreg:$0x7] =	wrdreg s22;
	s21 =	simm.s32 $0x18830;
	s22 =	simm.s32 $0x18768  }
.LBB2_1:
0x1a: {  	s8 =	rddreg [dreg:$0x3]  }
0x1b: {  	[spmem:s18], [sflag:s13] =	dma.local [hbm:s8], $0x30D4  }
0x1c: {  	_ =	swait.ge [sflag:s19], $0x30D4  }
0x1d: {  	[sflag:s19] =	ssyncset.done $0x0  }
0x1e: {  	[sflag:s19] =	ssyncadd.s32 $0xFFFFCF2C  }
0x1f: {  	[bflag:$0x0] =	sbarrier.arrive $0xFFFF  }
0x20: {  	s14 =	rddreg [dreg:$0x4]  }
0x21: {  	[tilespmem:s20], [sflag:$0x1] =	stream.linear.gather [hbm4b:s14+s3], $0xC8, $0x38;
	[tilespmem:$0x1BBC0] =	vst v63  }
0x22: {  	s11 =	rddreg [dreg:$0x5]  }
0x23: {  	[tilespmem:s21], [sflag:$0x3] =	stream.linear.gather [hbm4b:s11+s3], $0xC8, $0x38;
	[tilespmem:$0x1BBC0] =	vst v63  }
0x24: {  	s12 =	rddreg [dreg:$0x6]  }
0x25: {  	[tilespmem:s22], [sflag:$0x2] =	stream.linear.gather [hbm4b:s12+s3], $0xC8, $0x38;
	[tilespmem:$0x1BBC0] =	vst v63  }
0x26: {  	s17 =	smov.u32 s13;
	s13 =	rddreg [dreg:$0x7]  }
0x27: {  	[tilespmem:s23], [sflag:$0x4] =	stream.linear.gather [hbm4b:s13+s3], $0xC8, $0x38;
	[tilespmem:$0x1BBC0] =	vst v63  }
0x28: {  	_ =	swait.ge [sflag:s24], $0xC8  }
0x29: {  	[sflag:s24] =	ssyncset.done $0x0  }
0x2a: {  	[sflag:s24] =	ssyncadd.s32 $0xFFFFFF38  }
0x2b: {  	_ =	swait.ge [sflag:s25], $0xC8  }
0x2c: {  	[sflag:s25] =	ssyncset.done $0x0  }
0x2d: {  	[sflag:s25] =	ssyncadd.s32 $0xFFFFFF38  }
0x2e: {  	[tilespmem:s28], [sflag:$0x5] =	stream.indirect.gather [hbm4b:s4+s26], $0x20, s20, s26, $0xb8;
	[tilespmem:$0x1BBC0] =	vst v63  }
0x2f: {  	_ =	swait.ge [sflag:s29], $0xC8  }
0x30: {  	[sflag:s29] =	ssyncset.done $0x0  }
0x31: {  	[sflag:s29] =	ssyncadd.s32 $0xFFFFFF38  }
0x32: {  	_ =	swait.ge [sflag:s30], $0xC8  }
0x33: {  	[sflag:s30] =	ssyncset.done $0x0  }
0x34: {  	[sflag:s30] =	ssyncadd.s32 $0xFFFFFF38  }
0x35: {  	[tilespmem:s31], [sflag:$0x6] =	stream.indirect.gather [hbm4b:s4+s26], $0x20, s22, s26, $0xb8;
	[tilespmem:$0x1BBC0] =	vst v63  }
0x36: {  	_ =	swait.ge [sflag:s0], $0x1900  }
0x37: {  	[sflag:s0] =	ssyncset.done $0x0  }
0x38: {  	[sflag:s0] =	ssyncadd.s32 $0xFFFFE700  }
0x39: {  	[spmem:s2] =	stream.indirect.scatter.add.f32 [tilespmem:s28], [sflag:$0x7], $0x20, s21, s26, $0xb8;
	[tilespmem:$0x1BBC0] =	vst v63  }
0x3a: {  	_ =	swait.ge [sflag:s1], $0x1900  }
0x3b: {  	[sflag:s1] =	ssyncset.done $0x0  }
0x3c: {  	[sflag:s1] =	ssyncadd.s32 $0xFFFFE700  }
0x3d: {  	[spmem:s2] =	stream.indirect.scatter.add.f32 [tilespmem:s31], [sflag:$0x8], $0x20, s23, s26, $0xb8;
	[tilespmem:$0x1BBC0] =	vst v63  }
0x3e: {  	_ =	swait.ge [sflag:s7], $0x1900  }
0x3f: {  	[sflag:s7] =	ssyncset.done $0x0  }
0x40: {  	[sflag:s7] =	ssyncadd.s32 $0xFFFFE700  }
0x41: {  	_ =	swait.ge [sflag:s9], $0x1900  }
0x42: {  	s8 =	rddreg [dreg:$0xa]  }
0x43: {  	[sflag:s9] =	ssyncset.done $0x0;
	s11 =	sshrl.u32 s8, $0x3  }
0x44: {  	[sflag:s9] =	ssyncadd.s32 $0xFFFFE700;
	s12 =	sadd.s32 s5, s11  }
0x45: {  	[tilespmem:s20], [sflag:$0x1] =	stream.linear.gather [hbm4b:s12+s3], $0xC8, $0x38;
	[tilespmem:$0x1BBC0] =	vst v63  }
0x46: {  	s14 =	sadd.s32 $0x0, s16;
	s11 =	sadd.s32 s6, s11  }
0x47: {  	[tilespmem:s21], [sflag:$0x3] =	stream.linear.gather [hbm4b:s11+s3], $0xC8, $0x38;
	[tilespmem:$0x1BBC0] =	vst v63  }
0x48: {  	s13 =	sadd.s32 $0x0, s15;
	s12 =	sadd.s32 $0x190, s8;
	s11 =	simm.s32 $0x32  }
0x49: {  	[tilespmem:s22], [sflag:$0x2] =	stream.linear.gather [hbm4b:s14+s3], $0xC8, $0x38;
	[tilespmem:$0x1BBC0] =	vst v63  }
.LBB2_2:
0x4a: {  	[tilespmem:s23], [sflag:$0x4] =	stream.linear.gather [hbm4b:s13+s3], $0xC8, $0x38;
	[tilespmem:$0x1BBC0] =	vst v63  }
0x4b: {  	s13 =	smov.u32 s11  }
0x4c: {  	p0 =	sne.s32 s11, $0x1806;
	s11 =	sadd.s32 $0x32, s11;
	_ =	swait.ge [sflag:s24], $0xC8  }
0x4d: {  	[sflag:s24] =	ssyncset.done $0x0  }
0x4e: {  	[sflag:s24] =	ssyncadd.s32 $0xFFFFFF38  }
0x4f: {  	_ =	swait.ge [sflag:s25], $0xC8  }
0x50: {  	[sflag:s25] =	ssyncset.done $0x0  }
0x51: {  	[sflag:s25] =	ssyncadd.s32 $0xFFFFFF38  }
0x52: {  	[tilespmem:s28], [sflag:$0x5] =	stream.indirect.gather [hbm4b:s4+s26], $0x20, s20, s26, $0xb8;
	[tilespmem:$0x1BBC0] =	vst v63  }
0x53: {  	_ =	swait.ge [sflag:s29], $0xC8  }
0x54: {  	[sflag:s29] =	ssyncset.done $0x0  }
0x55: {  	[sflag:s29] =	ssyncadd.s32 $0xFFFFFF38  }
0x56: {  	_ =	swait.ge [sflag:s30], $0xC8  }
0x57: {  	[sflag:s30] =	ssyncset.done $0x0  }
0x58: {  	[sflag:s30] =	ssyncadd.s32 $0xFFFFFF38  }
0x59: {  	[tilespmem:s31], [sflag:$0x6] =	stream.indirect.gather [hbm4b:s4+s26], $0x20, s22, s26, $0xb8;
	[tilespmem:$0x1BBC0] =	vst v63  }
0x5a: {  	_ =	swait.ge [sflag:s0], $0x1900  }
0x5b: {  	[sflag:s0] =	ssyncset.done $0x0  }
0x5c: {  	[sflag:s0] =	ssyncadd.s32 $0xFFFFE700  }
0x5d: {  	[spmem:s2] =	stream.indirect.scatter.add.f32 [tilespmem:s28], [sflag:$0x7], $0x20, s21, s26, $0xb8;
	[tilespmem:$0x1BBC0] =	vst v63  }
0x5e: {  	_ =	swait.ge [sflag:s1], $0x1900  }
0x5f: {  	[sflag:s1] =	ssyncset.done $0x0  }
0x60: {  	[sflag:s1] =	ssyncadd.s32 $0xFFFFE700  }
0x61: {  	[spmem:s2] =	stream.indirect.scatter.add.f32 [tilespmem:s31], [sflag:$0x8], $0x20, s23, s26, $0xb8;
	[tilespmem:$0x1BBC0] =	vst v63  }
0x62: {  	_ =	swait.ge [sflag:s7], $0x1900  }
0x63: {  	[sflag:s7] =	ssyncset.done $0x0  }
0x64: {  	[sflag:s7] =	ssyncadd.s32 $0xFFFFE700  }
0x65: {  	_ =	swait.ge [sflag:s9], $0x1900  }
0x66: {  	s14 =	sshrl.u32 s12, $0x3;
	[sflag:s9] =	ssyncset.done $0x0  }
0x67: {  	s8 =	sadd.s32 s5, s14;
	[sflag:s9] =	ssyncadd.s32 $0xFFFFE700  }
0x68: {  	[tilespmem:s20], [sflag:$0x1] =	stream.linear.gather [hbm4b:s8+s3], $0xC8, $0x38;
	[tilespmem:$0x1BBC0] =	vst v63  }
.Ltmp0:
0x69: {  	s8 =	sadd.s32 s6, s14;
	(pc) =	sbr.rel @p0 .LBB2_2-.Ltmp0, $4  }
0x6a: {  	[tilespmem:s21], [sflag:$0x3] =	stream.linear.gather [hbm4b:s8+s3], $0xC8, $0x38;
	[tilespmem:$0x1BBC0] =	vst v63  }
0x6b: {  	s8 =	sadd.s32 s13, s16  }
0x6c: {  	[tilespmem:s22], [sflag:$0x2] =	stream.linear.gather [hbm4b:s8+s3], $0xC8, $0x38;
	[tilespmem:$0x1BBC0] =	vst v63  }
0x6d: {  	s12 =	sadd.s32 $0x190, s12;
	s13 =	sadd.s32 s13, s15  }
0x6e: {  	[tilespmem:s23], [sflag:$0x4] =	stream.linear.gather [hbm4b:s13+s3], $0xC8, $0x38;
	[tilespmem:$0x1BBC0] =	vst v63  }
0x6f: {  	_ =	swait.ge [sflag:s24], $0xC8  }
0x70: {  	[sflag:s24] =	ssyncset.done $0x0  }
0x71: {  	[sflag:s24] =	ssyncadd.s32 $0xFFFFFF38  }
0x72: {  	_ =	swait.ge [sflag:s25], $0xC8  }
0x73: {  	[sflag:s25] =	ssyncset.done $0x0  }
0x74: {  	[sflag:s25] =	ssyncadd.s32 $0xFFFFFF38  }
0x75: {  	[tilespmem:s28], [sflag:$0x5] =	stream.indirect.gather [hbm4b:s4+s26], $0x20, s20, s26, $0xb8;
	[tilespmem:$0x1BBC0] =	vst v63  }
0x76: {  	_ =	swait.ge [sflag:s29], $0xC8  }
0x77: {  	[sflag:s29] =	ssyncset.done $0x0  }
0x78: {  	[sflag:s29] =	ssyncadd.s32 $0xFFFFFF38  }
0x79: {  	_ =	swait.ge [sflag:s30], $0xC8  }
0x7a: {  	[sflag:s30] =	ssyncset.done $0x0  }
0x7b: {  	[sflag:s30] =	ssyncadd.s32 $0xFFFFFF38  }
0x7c: {  	[tilespmem:s31], [sflag:$0x6] =	stream.indirect.gather [hbm4b:s4+s26], $0x20, s22, s26, $0xb8;
	[tilespmem:$0x1BBC0] =	vst v63  }
0x7d: {  	_ =	swait.ge [sflag:s0], $0x1900  }
0x7e: {  	[sflag:s0] =	ssyncset.done $0x0  }
0x7f: {  	[sflag:s0] =	ssyncadd.s32 $0xFFFFE700  }
0x80: {  	[spmem:s2] =	stream.indirect.scatter.add.f32 [tilespmem:s28], [sflag:$0x7], $0x20, s21, s26, $0xb8;
	[tilespmem:$0x1BBC0] =	vst v63  }
0x81: {  	_ =	swait.ge [sflag:s1], $0x1900  }
0x82: {  	[sflag:s1] =	ssyncset.done $0x0  }
0x83: {  	[sflag:s1] =	ssyncadd.s32 $0xFFFFE700  }
0x84: {  	[spmem:s2] =	stream.indirect.scatter.add.f32 [tilespmem:s31], [sflag:$0x8], $0x20, s23, s26, $0xb8;
	[tilespmem:$0x1BBC0] =	vst v63  }
0x85: {  	_ =	swait.ge [sflag:s7], $0x1900  }
0x86: {  	[sflag:s7] =	ssyncset.done $0x0  }
0x87: {  	[sflag:s7] =	ssyncadd.s32 $0xFFFFE700  }
0x88: {  	_ =	swait.ge [sflag:s9], $0x1900  }
0x89: {  	[sflag:s9] =	ssyncset.done $0x0  }
0x8a: {  	[sflag:s9] =	ssyncadd.s32 $0xFFFFE700  }
0x8b: {  	[bflag:$0x0] =	sbarrier.arrive $0xFFFF  }
0x8c: {  	s8 =	rddreg [dreg:$0x8]  }
0x8d: {  	[hbm:s8], [sflag:s17] =	dma.local [spmem:s18], $0x30D4  }
0x8e: {  	_ =	swait.ge [sflag:s19], $0x30D4  }
0x8f: {  	s13 =	smov.u32 s17;
	s10 =	sadd.s32 $0x1, s10;
	s17 =	rddreg [dreg:$0x9]  }
0x90: {  	p0 =	sne.s32 s10, s17  }
.Ltmp1:
0x91: {  	_ = 	snop;
	(pc) =	sbr.rel @p0 .LBB2_1-.Ltmp1, $3  }
0x92: {  	_ =	sdelay $0x1  }
0x93: {  	[sflag:s19] =	ssyncset.done $0x0  }
0x94: {  	[sflag:s19] =	ssyncadd.s32 $0xFFFFCF2C  }
0x95: {  	_ =	sfence.sel $0x180000  }
0x96: {  	[bflag:$0x0] =	sbarrier.arrive $0xFFFF  }
0x97: {  	_ =	strace $0x9000004A  }
0x98: {  	s0 =	stileid.u32;
	[bflag:$0x2] =	sbarrier.arrive $0xFFFF  }
0x99: {  	p0 =	sne.s32 s0, $0x0;
	s0 =	rddreg [dreg:$0x2]  }
0x9a: {  	s0 =	sadd.s32 @!p0 $0x100000, s0  }
0x9b: {  	[sflag:s0] =	ssyncadd.tile.s32 @!p0 $0x1;
	_ =	shalt  }
.Lfunc_end2:
_tile_overlayer_lowered:
.L_overlay_start_2:
0x9c: {  	(tag) =	ssettag $0x2  }
0x9d: {  	s0 =	rddreg [dreg:$0x0];
	s2 =	stileid.u32  }
0x9e: {  	s1 =	rddreg [dreg:$0x1];
	p0 =	sne.s32 s2, $0x0  }
0x9f: {  	s3 =	rddreg [dreg:$0x2];
	[bflag:$0x3] =	sbarrier.arrive $0xFFFF;
	s2 =	simm.s32 @!p0 $0x1C09  }
0xa0: {  	[timem:s3], [sflag:s2] =	dma.local @!p0 [hbm:s0], s1  }
0xa1: {  	s0 =	simm.s32 @!p0 $0x9  }
0xa2: {  	_ =	swait.ge @!p0 [sflag:s0], s1  }
0xa3: {  	s1 =	ssub.s32 @!p0 $0x0, s1;
	[sflag:s0] =	ssyncset.done @!p0 $0x0  }
0xa4: {  	[sflag:s0] =	ssyncadd.s32 @!p0 s1  }
0xa5: {  	[bflag:$0x3] =	sbarrier.arrive $0xFFFF  }
0xa6: {  	_ =	shalt  }

// kernel: kernel.14.cloned.1.call-start
scs
__scs_entry_jumppad:
0x0: {  	(pc) =	sbr.rel $0x88, $3  }
0x1: {  	(tag) =	ssettag $0x0;
	lr =	simm.s32 $0x1  }
0x2: {  	[smem:$0x3F95] =	sst lr;
	_ =	strace $0xD0000000  }
0x3: {  	_ = 	snop  }
0x4: {  	_ = 	snop  }
0x5: {  	_ = 	snop  }
0x6: {  	_ = 	snop  }
0x7: {  	_ = 	snop  }
__scs_overlays_trampoline_lowered:
0x8: {  	[smem:$0x3FA4] =	sst s0  }
0x9: {  	[smem:$0x3FA5] =	sst s1  }
0xa: {  	[smem:$0x3FA6] =	sst s2  }
0xb: {  	[smem:$0x3FA7] =	sst s3  }
0xc: {  	[smem:$0x3FA8] =	sst s4  }
0xd: {  	[smem:$0x3FA9] =	sst s5  }
0xe: {  	[smem:$0x3FAA] =	sst s6  }
0xf: {  	[smem:$0x3FAB] =	sst s7  }
0x10: {  	[smem:$0x3FAC] =	sst s8  }
0x11: {  	[smem:$0x3FAD] =	sst s9;
	s0 =	simm.s32 @!p0 $0x0  }
0x12: {  	s1 =	sld [smem:$0x3F93];
	s0 =	simm.s32 @p0 $0x1  }
0x13: {  	[smem:$0x3FAE] =	sst s0;
	s0 =	simm.s32 @!p1 $0x0  }
0x14: {  	s2 =	sld [smem:$0x3F92];
	s0 =	simm.s32 @p1 $0x1  }
0x15: {  	[smem:$0x3FAF] =	sst s0;
	s0 =	simm.s32 @!p2 $0x0  }
0x16: {  	s3 =	sld [smem:$0x3FDB];
	s0 =	simm.s32 @p2 $0x1  }
0x17: {  	s4 =	simm.s32 $0x1BF5;
	[smem:$0x3FB1] =	sst s0  }
0x18: {  	s0 =	sld [smem:$0x3F94];
	_ =	swait.ge [sflag:s4], $0x0  }
0x19: {  	s7 =	sld [smem:$0x3F95]  }
0x1a: {  	s8 =	sadd.s32 $0xFFFFE003, lr  }
0x1b: {  	s9 =	sadd.s32 $0xFFFFFEF7, lr;
	s5 =	simm.s32 $0xFFFFFFFF;
	p2 =	slt.u32 s8, $0xFFFFF086  }
0x1c: {  	p1 =	slt.u32 s9, $0xF7A;
	s5 =	simm.s32 @!p2 $0x0  }
0x1d: {  	s5 =	simm.s32 @p1 $0x1;
	p0 =	seq.s32 s7, s2  }
0x1e: {  	s7 =	smul.u32 @!p0 $0xF7A, s2;
	p2 =	seq.s32 @!p0 s5, $0x0  }
0x1f: {  	s9 =	smul.u32 $0xF7A, s1;
	s8 =	simm.s32 @!p0 $0x1BF5;
	p2 =	por !p2, p0  }
0x20: {  	[sflag:s8] =	ssyncset.s32 @!p0 $0xFFFFF086;
	s6 =	sadd.s32 @!p0 s3, s7;
	s7 =	simm.s32 @!p0 $0x108  }
0x21: {  	s3 =	sadd.s32 s3, s9;
	s6 =	sadd.s32 @!p0 $0x88, s6;
	s7 =	simm.s32 @p2 $0x1082  }
0x22: {  	[simem:s7], [sflag:s8] =	dma.local @!p0 [hbm:s6], $0xF7A  }
0x23: {  	s9 =	sor.u32 $0xD0000000, s2;
	s6 =	simm.s32 $0x108;
	_ =	swait.ge @!p0 [sflag:s8], $0x0  }
0x24: {  	s3 =	sadd.s32 $0x88, s3;
	s6 =	simm.s32 @!p1 $0x1082;
	[sflag:s4] =	ssyncset.s32 $0xFFFFF086  }
0x25: {  	[simem:s6], [sflag:s4] =	dma.local [hbm:s3], $0xF7A  }
0x26: {  	[smem:$0x3F95] =	sst s1;
	(tag) =	ssettag s2;
	_ =	strace s9  }
0x27: {  	s1 =	sld [smem:$0x3FA5]  }
0x28: {  	s2 =	sld [smem:$0x3FA6]  }
0x29: {  	s4 =	sld [smem:$0x3FA8]  }
0x2a: {  	p0 =	seq.s32 s5, $0x0;
	s5 =	sld [smem:$0x3FA9]  }
0x2b: {  	s6 =	sld [smem:$0x3FAA]  }
0x2c: {  	s7 =	sld [smem:$0x3FAB]  }
0x2d: {  	s3 =	simm.s32 $0x108;
	s8 =	sld [smem:$0x3FAC]  }
0x2e: {  	s3 =	simm.s32 @!p0 $0x1082;
	s9 =	sld [smem:$0x3FAD]  }
0x2f: {  	lr =	sadd.s32 s0, s3;
	s0 =	sld [smem:$0x3FA4]  }
0x30: {  	s3 =	sld [smem:$0x3FA7]  }
0x31: {  	[smem:$0x3FB0] =	sst s10  }
0x32: {  	s10 =	sld [smem:$0x3FAE];
	_ =	sdelay $0x3  }
0x33: {  	p0 =	seq.s32 s10, $0x1;
	s10 =	sld [smem:$0x3FB0];
	_ =	sdelay $0x3  }
0x34: {  	[smem:$0x3FB0] =	sst s10  }
0x35: {  	s10 =	sld [smem:$0x3FAF];
	_ =	sdelay $0x3  }
0x36: {  	p1 =	seq.s32 s10, $0x1;
	s10 =	sld [smem:$0x3FB0];
	_ =	sdelay $0x3  }
0x37: {  	[smem:$0x3FB0] =	sst s10  }
0x38: {  	s10 =	sld [smem:$0x3FB1]  }
0x39: {  	_ = 	snop;
	(pc) =	sbr.ind lr, $3  }
0x3a: {  	_ = 	snop  }
0x3b: {  	_ = 	snop  }
0x3c: {  	p2 =	seq.s32 s10, $0x1;
	s10 =	sld [smem:$0x3FB0]  }
0x3d: {  	_ =	shalt  }
0x3e: {  	_ =	shalt  }
0x3f: {  	_ =	shalt  }
0x40: {  	_ =	shalt  }
0x41: {  	_ =	shalt  }
0x42: {  	_ =	shalt  }
0x43: {  	_ =	shalt  }
0x44: {  	_ =	shalt  }
0x45: {  	_ =	shalt  }
0x46: {  	_ =	shalt  }
0x47: {  	_ =	shalt  }
0x48: {  	_ =	shalt  }
0x49: {  	_ =	shalt  }
0x4a: {  	_ =	shalt  }
0x4b: {  	_ =	shalt  }
0x4c: {  	_ =	shalt  }
0x4d: {  	_ =	shalt  }
0x4e: {  	_ =	shalt  }
0x4f: {  	_ =	shalt  }
0x50: {  	_ =	shalt  }
0x51: {  	_ =	shalt  }
0x52: {  	_ =	shalt  }
0x53: {  	_ =	shalt  }
0x54: {  	_ =	shalt  }
0x55: {  	_ =	shalt  }
0x56: {  	_ =	shalt  }
0x57: {  	_ =	shalt  }
0x58: {  	_ =	shalt  }
0x59: {  	_ =	shalt  }
0x5a: {  	_ =	shalt  }
0x5b: {  	_ =	shalt  }
0x5c: {  	_ =	shalt  }
0x5d: {  	_ =	shalt  }
0x5e: {  	_ =	shalt  }
0x5f: {  	_ =	shalt  }
0x60: {  	_ =	shalt  }
0x61: {  	_ =	shalt  }
0x62: {  	_ =	shalt  }
0x63: {  	_ =	shalt  }
0x64: {  	_ =	shalt  }
0x65: {  	_ =	shalt  }
0x66: {  	_ =	shalt  }
0x67: {  	_ =	shalt  }
0x68: {  	_ =	shalt  }
0x69: {  	_ =	shalt  }
0x6a: {  	_ =	shalt  }
0x6b: {  	_ =	shalt  }
0x6c: {  	_ =	shalt  }
0x6d: {  	_ =	shalt  }
0x6e: {  	_ =	shalt  }
0x6f: {  	_ =	shalt  }
0x70: {  	_ =	shalt  }
0x71: {  	_ =	shalt  }
0x72: {  	_ =	shalt  }
0x73: {  	_ =	shalt  }
0x74: {  	_ =	shalt  }
0x75: {  	_ =	shalt  }
0x76: {  	_ =	shalt  }
0x77: {  	_ =	shalt  }
0x78: {  	_ =	shalt  }
0x79: {  	_ =	shalt  }
0x7a: {  	_ =	shalt  }
0x7b: {  	_ =	shalt  }
0x7c: {  	_ =	shalt  }
0x7d: {  	_ =	shalt  }
0x7e: {  	_ =	shalt  }
0x7f: {  	_ =	shalt  }
0x80: {  	_ =	shalt  }
0x81: {  	_ =	shalt  }
0x82: {  	_ =	shalt  }
0x83: {  	_ =	shalt  }
0x84: {  	_ =	shalt  }
0x85: {  	_ =	shalt  }
0x86: {  	_ =	shalt  }
0x87: {  	_ =	shalt  }
.Lfunc_end0:
.L_simem_size_0:
called_computation.2_lowered:
.L_overlay_start_0:
0x88: {  	s2 =	sld [smem:$0x3FD9]  }
0x89: {  	s3 =	sld [smem:$0x3FFE];
	_ =	sdelay $0x1  }
0x8a: {  	s1 =	srdreg.scid  }
0x8b: {  	s0 =	sand.u32 $0x1, s1  }
0x8c: {  	s16 =	sshll.u32 s0, $0xA;
	s2 =	sadd.s32 s3, s2  }
0x8d: {  	s2 =	sadd.s32 s2, s16  }
0x8e: {  	[smem:$0x3FBC] =	sst s2  }
0x8f: {  	_ = 	snop  }
0x90: {  	(tm) =	ssettm $0x1  }
0x91: {  	s17 =	sld [smem:$0x3FFB];
	_ =	sdelay $0x3  }
0x92: {  	_ =	strace s17  }
0x93: {  	s2 =	sld [smem:$0x3FFC];
	_ =	sdelay $0x3  }
0x94: {  	_ =	strace s2  }
0x95: {  	s2 =	sld [smem:$0x3FFD];
	_ =	sdelay $0x3  }
0x96: {  	_ =	strace s2  }
0x97: {  	_ =	strace $0x8FFFFFFF  }
0x98: {  	s18 =	sld [smem:$0x3FDB];
	_ =	sdelay $0x1  }
0x99: {  	s19 =	simm.s32 $_scs_section_size  }
0x9a: {  	s4 =	simm.s32 $_size__tile_overlayer_lowered;
	s5 =	simm.s32 $_tile_overlayer_lowered  }
0x9b: {  	s22 =	simm.s32 $0x1BFF;
	s21 =	sshll.u32 s5, $0x1;
	s2 =	sadd.s32 s19, s18  }
0x9c: {  	s6 =	simm.s32 $0x0;
	s20 =	sshll.u32 s4, $0x1;
	s4 =	sadd.s32 s21, s2  }
0x9d: {  	[timem:s6], [sflag:s22] =	dma.local [hbm:s4], s20  }
0x9e: {  	_ =	swait.ge [sflag:s22], s20  }
0x9f: {  	s3 =	ssub.s32 $0x0, s20;
	[sflag:s22] =	ssyncset.done $0x0  }
0xa0: {  	[sflag:s22] =	ssyncadd.s32 s3;
	_ =	sdelay $0x1  }
0xa1: {  	s23 =	simm.s32 $0x1B8B  }
0xa2: {  	_ =	swait.ge [sflag:s23], $0x1  }
0xa3: {  	[sflag:s23] =	ssyncset.done $0x0  }
0xa4: {  	s25 =	simm.s32 $0x1B8E;
	s24 =	sld [smem:$0x3FFE];
	[sflag:s23] =	ssyncadd.s32 $0xFFFFFFFF  }
0xa5: {  	s26 =	simm.s32 $execute0_lowered;
	[smem:$0x3FD2] =	sst s25  }
0xa6: {  	s4 =	sshll.u32 s26, $0x1;
	_ =	strace $0x8000004C;
	[dreg:$0x1] =	wrdreg $0xFFFFFFFF  }
0xa7: {  	s28 =	simm.s32 $_size_execute0_lowered;
	s2 =	sadd.s32 s2, s4;
	[dreg:$0x0] =	wrdreg $0x0  }
0xa8: {  	s4 =	sshll.u32 s28, $0x1;
	[dreg:$0x2] =	wrdreg s2  }
0xa9: {  	[dreg:$0x3] =	wrdreg s4  }
0xaa: {  	[dreg:$0x4] =	wrdreg $0xC0  }
0xab: {  	_ =	task [dreg:s6], $0x5FFFF  }
0xac: {  	[dreg:$0x1] =	wrdreg $0xFFFFFFFF  }
0xad: {  	[dreg:$0x0] =	wrdreg $0x60  }
0xae: {  	[dreg:$0x2] =	wrdreg s24  }
0xaf: {  	[dreg:$0x3] =	wrdreg $0x0  }
0xb0: {  	[dreg:$0x4] =	wrdreg $0x9  }
0xb1: {  	_ =	task.clear_ibuf [dreg:s6], $0x5FFFF;
	_ =	strace $0x9000004C  }
0xb2: {  	s29 =	simm.s32 $0x9;
	_ =	strace $0x8000004E  }
0xb3: {  	_ =	swait.ge [sflag:s29], $0x1  }
0xb4: {  	[sflag:s29] =	ssyncadd.s32 $0xFFFFFFFF  }
0xb5: {  	_ =	strace $0x9000004E  }
0xb6: {  	_ =	sfence  }
0xb7: {  	s30 =	sld [smem:$0x0];
	_ =	sdelay $0x2  }
0xb8: {  	s31 =	sshll.u32 s1, $0xD;
	s1 =	sshrl.u32 s1, $0x2  }
0xb9: {  	s3 =	sand.u32 $0x4000, s31;
	s1 =	sadd.s32 s1, s30  }
0xba: {  	s0 =	sor.u32 s3, s0;
	s1 =	sshll.u32 s1, $0x11  }
0xbb: {  	s0 =	sor.u32 s1, s0  }
0xbc: {  	s0 =	sadd.s32 $0x8F2B, s0  }
0xbd: {  	[sflag:s0] =	ssyncadd.remote.s32 $0x1  }
0xbe: {  	_ =	sfence.sel $0xFFFF  }
0xbf: {  	[dreg:$0x0] =	wrdreg $0xFFFFFFFF;
	(pc) =	sbr.abs _section_cstart, $3  }
0xc0: {  	[dreg:$0x1] =	wrdreg $0xFFFFFFFF  }
0xc1: {  	_ =	task.clear_ibuf [dreg:s6], $0x2FFFF;
	_ =	strace $0x9FFFFFFF  }
0xc2: {  	(tm) =	ssettm $0x7FFFFFFF  }
0xc3: {  	_ =	shalt  }
tec
execute0_lowered:
.L_overlay_start_1:
0x0: {  	(tag) =	ssettag $0x1  }
0x1: {  	s0 =	rddreg [dreg:$0x0]  }
0x2: {  	s2 =	rddreg [dreg:$0x1]  }
0x3: {  	s3 =	simm.s32 $0x0;
	s13 =	stileid.u32;
	s4 =	srdreg.scid  }
0x4: {  	s28 =	simm.s32 $0x189C0;
	s29 =	simm.s32 $0x2;
	s30 =	simm.s32 $0x4  }
0x5: {  	s31 =	simm.s32 $0x1A2C0;
	[smem:$0x7FF] =	sst s3;
	s1 =	smul.u32 $0x186A0, s13  }
0x6: {  	s7 =	sand.u32 $0x1, s4;
	s4 =	sadd.s32 $0x62C00, s0;
	s5 =	sadd.s32 $0x1000, s0  }
0x7: {  	s6 =	sadd.s32 $0x31E00, s0;
	s17 =	sshll.u32 s13, $0x6;
	s18 =	smul.u32 $0xC350, s13  }
0x8: {  	_ =	strace $0x8000004D;
	s9 =	smul.u32 $0x186A00, s7;
	s10 =	ssub.s32 $0x2, s7  }
0x9: {  	s11 =	sshll.u32 s7, $0x4;
	s7 =	smul.u32 $0xC3500, s7;
	s8 =	sshrl.u32 s1, $0x3  }
0xa: {  	s12 =	sshrl.u32 s10, $0x1;
	s11 =	sor.u32 s13, s11;
	s13 =	sor.u32 $0x1C09, s17  }
0xb: {  	s8 =	sadd.s32 s8, s0;
	s9 =	sadd.s32 s1, s9;
	s15 =	ssub.s32 s10, s12  }
0xc: {  	s16 =	smul.u32 $0xC350, s11;
	s1 =	sadd.s32 s1, s2;
	s7 =	sadd.s32 s18, s7  }
0xd: {  	s9 =	sshrl.u32 s9, $0x3;
	s8 =	sadd.s32 $0x93A00, s8;
	s23 =	sadd.s32 $0x258, s7  }
0xe: {  	s24 =	smax.u32 s15, $0x1;
	s26 =	sadd.s32 $0x190, s7;
	s18 =	sshrl.u32 s1, $0x3  }
0xf: {  	s1 =	simm.s32 $0x6;
	s7 =	simm.s32 $0x7;
	[dreg:$0x3] =	wrdreg s8  }
0x10: {  	s0 =	sadd.s32 s9, s0;
	s11 =	sshrl.u32 s16, $0x3;
	[dreg:$0x9] =	wrdreg s24  }
0x11: {  	s10 =	sadd.s32 $0xC8, s16;
	s25 =	sshrl.u32 s23, $0x3;
	[dreg:$0xa] =	wrdreg s26  }
0x12: {  	s23 =	simm.s32 $0x188F8;
	s24 =	simm.s32 $0x1;
	s26 =	simm.s32 $0xC8  }
0x13: {  	s9 =	simm.s32 $0x8;
	s19 =	sadd.s32 s5, s11;
	s20 =	sadd.s32 s6, s11  }
0x14: {  	s10 =	sshrl.u32 s10, $0x3;
	s0 =	sadd.s32 $0xC4800, s0;
	s15 =	sadd.s32 s25, s6  }
0x15: {  	s16 =	sadd.s32 s25, s5;
	s25 =	simm.s32 $0x3;
	[dreg:$0x4] =	wrdreg s19  }
0x16: {  	[dreg:$0x5] =	wrdreg s20;
	s21 =	sadd.s32 s5, s10;
	s22 =	sadd.s32 s6, s10  }
0x17: {  	[dreg:$0x8] =	wrdreg s0;
	s19 =	simm.s32 $0x9;
	s20 =	simm.s32 $0x186A0  }
0x18: {  	s0 =	simm.s32 $0x5;
	s10 =	simm.s32 $0x0;
	[dreg:$0x6] =	wrdreg s21  }
0x19: {  	[dreg:$0x7] =	wrdreg s22;
	s21 =	simm.s32 $0x18830;
	s22 =	simm.s32 $0x18768  }
.LBB2_1:
0x1a: {  	s8 =	rddreg [dreg:$0x3]  }
0x1b: {  	[spmem:s18], [sflag:s13] =	dma.local [hbm:s8], $0x30D4  }
0x1c: {  	_ =	swait.ge [sflag:s19], $0x30D4  }
0x1d: {  	[sflag:s19] =	ssyncset.done $0x0  }
0x1e: {  	[sflag:s19] =	ssyncadd.s32 $0xFFFFCF2C  }
0x1f: {  	[bflag:$0x0] =	sbarrier.arrive $0xFFFF  }
0x20: {  	s14 =	rddreg [dreg:$0x4]  }
0x21: {  	[tilespmem:s20], [sflag:$0x1] =	stream.linear.gather [hbm4b:s14+s3], $0xC8, $0x38;
	[tilespmem:$0x1BBC0] =	vst v63  }
0x22: {  	s11 =	rddreg [dreg:$0x5]  }
0x23: {  	[tilespmem:s21], [sflag:$0x3] =	stream.linear.gather [hbm4b:s11+s3], $0xC8, $0x38;
	[tilespmem:$0x1BBC0] =	vst v63  }
0x24: {  	s12 =	rddreg [dreg:$0x6]  }
0x25: {  	[tilespmem:s22], [sflag:$0x2] =	stream.linear.gather [hbm4b:s12+s3], $0xC8, $0x38;
	[tilespmem:$0x1BBC0] =	vst v63  }
0x26: {  	s17 =	smov.u32 s13;
	s13 =	rddreg [dreg:$0x7]  }
0x27: {  	[tilespmem:s23], [sflag:$0x4] =	stream.linear.gather [hbm4b:s13+s3], $0xC8, $0x38;
	[tilespmem:$0x1BBC0] =	vst v63  }
0x28: {  	_ =	swait.ge [sflag:s24], $0xC8  }
0x29: {  	[sflag:s24] =	ssyncset.done $0x0  }
0x2a: {  	[sflag:s24] =	ssyncadd.s32 $0xFFFFFF38  }
0x2b: {  	_ =	swait.ge [sflag:s25], $0xC8  }
0x2c: {  	[sflag:s25] =	ssyncset.done $0x0  }
0x2d: {  	[sflag:s25] =	ssyncadd.s32 $0xFFFFFF38  }
0x2e: {  	[tilespmem:s28], [sflag:$0x5] =	stream.indirect.gather [hbm4b:s4+s26], $0x20, s20, s26, $0xb8;
	[tilespmem:$0x1BBC0] =	vst v63  }
0x2f: {  	_ =	swait.ge [sflag:s29], $0xC8  }
0x30: {  	[sflag:s29] =	ssyncset.done $0x0  }
0x31: {  	[sflag:s29] =	ssyncadd.s32 $0xFFFFFF38  }
0x32: {  	_ =	swait.ge [sflag:s30], $0xC8  }
0x33: {  	[sflag:s30] =	ssyncset.done $0x0  }
0x34: {  	[sflag:s30] =	ssyncadd.s32 $0xFFFFFF38  }
0x35: {  	[tilespmem:s31], [sflag:$0x6] =	stream.indirect.gather [hbm4b:s4+s26], $0x20, s22, s26, $0xb8;
	[tilespmem:$0x1BBC0] =	vst v63  }
0x36: {  	_ =	swait.ge [sflag:s0], $0x1900  }
0x37: {  	[sflag:s0] =	ssyncset.done $0x0  }
0x38: {  	[sflag:s0] =	ssyncadd.s32 $0xFFFFE700  }
0x39: {  	[spmem:s2] =	stream.indirect.scatter.add.f32 [tilespmem:s28], [sflag:$0x7], $0x20, s21, s26, $0xb8;
	[tilespmem:$0x1BBC0] =	vst v63  }
0x3a: {  	_ =	swait.ge [sflag:s1], $0x1900  }
0x3b: {  	[sflag:s1] =	ssyncset.done $0x0  }
0x3c: {  	[sflag:s1] =	ssyncadd.s32 $0xFFFFE700  }
0x3d: {  	[spmem:s2] =	stream.indirect.scatter.add.f32 [tilespmem:s31], [sflag:$0x8], $0x20, s23, s26, $0xb8;
	[tilespmem:$0x1BBC0] =	vst v63  }
0x3e: {  	_ =	swait.ge [sflag:s7], $0x1900  }
0x3f: {  	[sflag:s7] =	ssyncset.done $0x0  }
0x40: {  	[sflag:s7] =	ssyncadd.s32 $0xFFFFE700  }
0x41: {  	_ =	swait.ge [sflag:s9], $0x1900  }
0x42: {  	s8 =	rddreg [dreg:$0xa]  }
0x43: {  	[sflag:s9] =	ssyncset.done $0x0;
	s11 =	sshrl.u32 s8, $0x3  }
0x44: {  	[sflag:s9] =	ssyncadd.s32 $0xFFFFE700;
	s12 =	sadd.s32 s5, s11  }
0x45: {  	[tilespmem:s20], [sflag:$0x1] =	stream.linear.gather [hbm4b:s12+s3], $0xC8, $0x38;
	[tilespmem:$0x1BBC0] =	vst v63  }
0x46: {  	s14 =	sadd.s32 $0x0, s16;
	s11 =	sadd.s32 s6, s11  }
0x47: {  	[tilespmem:s21], [sflag:$0x3] =	stream.linear.gather [hbm4b:s11+s3], $0xC8, $0x38;
	[tilespmem:$0x1BBC0] =	vst v63  }
0x48: {  	s13 =	sadd.s32 $0x0, s15;
	s12 =	sadd.s32 $0x190, s8;
	s11 =	simm.s32 $0x32  }
0x49: {  	[tilespmem:s22], [sflag:$0x2] =	stream.linear.gather [hbm4b:s14+s3], $0xC8, $0x38;
	[tilespmem:$0x1BBC0] =	vst v63  }
.LBB2_2:
0x4a: {  	[tilespmem:s23], [sflag:$0x4] =	stream.linear.gather [hbm4b:s13+s3], $0xC8, $0x38;
	[tilespmem:$0x1BBC0] =	vst v63  }
0x4b: {  	s13 =	smov.u32 s11  }
0x4c: {  	p0 =	sne.s32 s11, $0x1806;
	s11 =	sadd.s32 $0x32, s11;
	_ =	swait.ge [sflag:s24], $0xC8  }
0x4d: {  	[sflag:s24] =	ssyncset.done $0x0  }
0x4e: {  	[sflag:s24] =	ssyncadd.s32 $0xFFFFFF38  }
0x4f: {  	_ =	swait.ge [sflag:s25], $0xC8  }
0x50: {  	[sflag:s25] =	ssyncset.done $0x0  }
0x51: {  	[sflag:s25] =	ssyncadd.s32 $0xFFFFFF38  }
0x52: {  	[tilespmem:s28], [sflag:$0x5] =	stream.indirect.gather [hbm4b:s4+s26], $0x20, s20, s26, $0xb8;
	[tilespmem:$0x1BBC0] =	vst v63  }
0x53: {  	_ =	swait.ge [sflag:s29], $0xC8  }
0x54: {  	[sflag:s29] =	ssyncset.done $0x0  }
0x55: {  	[sflag:s29] =	ssyncadd.s32 $0xFFFFFF38  }
0x56: {  	_ =	swait.ge [sflag:s30], $0xC8  }
0x57: {  	[sflag:s30] =	ssyncset.done $0x0  }
0x58: {  	[sflag:s30] =	ssyncadd.s32 $0xFFFFFF38  }
0x59: {  	[tilespmem:s31], [sflag:$0x6] =	stream.indirect.gather [hbm4b:s4+s26], $0x20, s22, s26, $0xb8;
	[tilespmem:$0x1BBC0] =	vst v63  }
0x5a: {  	_ =	swait.ge [sflag:s0], $0x1900  }
0x5b: {  	[sflag:s0] =	ssyncset.done $0x0  }
0x5c: {  	[sflag:s0] =	ssyncadd.s32 $0xFFFFE700  }
0x5d: {  	[spmem:s2] =	stream.indirect.scatter.add.f32 [tilespmem:s28], [sflag:$0x7], $0x20, s21, s26, $0xb8;
	[tilespmem:$0x1BBC0] =	vst v63  }
0x5e: {  	_ =	swait.ge [sflag:s1], $0x1900  }
0x5f: {  	[sflag:s1] =	ssyncset.done $0x0  }
0x60: {  	[sflag:s1] =	ssyncadd.s32 $0xFFFFE700  }
0x61: {  	[spmem:s2] =	stream.indirect.scatter.add.f32 [tilespmem:s31], [sflag:$0x8], $0x20, s23, s26, $0xb8;
	[tilespmem:$0x1BBC0] =	vst v63  }
0x62: {  	_ =	swait.ge [sflag:s7], $0x1900  }
0x63: {  	[sflag:s7] =	ssyncset.done $0x0  }
0x64: {  	[sflag:s7] =	ssyncadd.s32 $0xFFFFE700  }
0x65: {  	_ =	swait.ge [sflag:s9], $0x1900  }
0x66: {  	s14 =	sshrl.u32 s12, $0x3;
	[sflag:s9] =	ssyncset.done $0x0  }
0x67: {  	s8 =	sadd.s32 s5, s14;
	[sflag:s9] =	ssyncadd.s32 $0xFFFFE700  }
0x68: {  	[tilespmem:s20], [sflag:$0x1] =	stream.linear.gather [hbm4b:s8+s3], $0xC8, $0x38;
	[tilespmem:$0x1BBC0] =	vst v63  }
.Ltmp0:
0x69: {  	s8 =	sadd.s32 s6, s14;
	(pc) =	sbr.rel @p0 .LBB2_2-.Ltmp0, $4  }
0x6a: {  	[tilespmem:s21], [sflag:$0x3] =	stream.linear.gather [hbm4b:s8+s3], $0xC8, $0x38;
	[tilespmem:$0x1BBC0] =	vst v63  }
0x6b: {  	s8 =	sadd.s32 s13, s16  }
0x6c: {  	[tilespmem:s22], [sflag:$0x2] =	stream.linear.gather [hbm4b:s8+s3], $0xC8, $0x38;
	[tilespmem:$0x1BBC0] =	vst v63  }
0x6d: {  	s12 =	sadd.s32 $0x190, s12;
	s13 =	sadd.s32 s13, s15  }
0x6e: {  	[tilespmem:s23], [sflag:$0x4] =	stream.linear.gather [hbm4b:s13+s3], $0xC8, $0x38;
	[tilespmem:$0x1BBC0] =	vst v63  }
0x6f: {  	_ =	swait.ge [sflag:s24], $0xC8  }
0x70: {  	[sflag:s24] =	ssyncset.done $0x0  }
0x71: {  	[sflag:s24] =	ssyncadd.s32 $0xFFFFFF38  }
0x72: {  	_ =	swait.ge [sflag:s25], $0xC8  }
0x73: {  	[sflag:s25] =	ssyncset.done $0x0  }
0x74: {  	[sflag:s25] =	ssyncadd.s32 $0xFFFFFF38  }
0x75: {  	[tilespmem:s28], [sflag:$0x5] =	stream.indirect.gather [hbm4b:s4+s26], $0x20, s20, s26, $0xb8;
	[tilespmem:$0x1BBC0] =	vst v63  }
0x76: {  	_ =	swait.ge [sflag:s29], $0xC8  }
0x77: {  	[sflag:s29] =	ssyncset.done $0x0  }
0x78: {  	[sflag:s29] =	ssyncadd.s32 $0xFFFFFF38  }
0x79: {  	_ =	swait.ge [sflag:s30], $0xC8  }
0x7a: {  	[sflag:s30] =	ssyncset.done $0x0  }
0x7b: {  	[sflag:s30] =	ssyncadd.s32 $0xFFFFFF38  }
0x7c: {  	[tilespmem:s31], [sflag:$0x6] =	stream.indirect.gather [hbm4b:s4+s26], $0x20, s22, s26, $0xb8;
	[tilespmem:$0x1BBC0] =	vst v63  }
0x7d: {  	_ =	swait.ge [sflag:s0], $0x1900  }
0x7e: {  	[sflag:s0] =	ssyncset.done $0x0  }
0x7f: {  	[sflag:s0] =	ssyncadd.s32 $0xFFFFE700  }
0x80: {  	[spmem:s2] =	stream.indirect.scatter.add.f32 [tilespmem:s28], [sflag:$0x7], $0x20, s21, s26, $0xb8;
	[tilespmem:$0x1BBC0] =	vst v63  }
0x81: {  	_ =	swait.ge [sflag:s1], $0x1900  }
0x82: {  	[sflag:s1] =	ssyncset.done $0x0  }
0x83: {  	[sflag:s1] =	ssyncadd.s32 $0xFFFFE700  }
0x84: {  	[spmem:s2] =	stream.indirect.scatter.add.f32 [tilespmem:s31], [sflag:$0x8], $0x20, s23, s26, $0xb8;
	[tilespmem:$0x1BBC0] =	vst v63  }
0x85: {  	_ =	swait.ge [sflag:s7], $0x1900  }
0x86: {  	[sflag:s7] =	ssyncset.done $0x0  }
0x87: {  	[sflag:s7] =	ssyncadd.s32 $0xFFFFE700  }
0x88: {  	_ =	swait.ge [sflag:s9], $0x1900  }
0x89: {  	[sflag:s9] =	ssyncset.done $0x0  }
0x8a: {  	[sflag:s9] =	ssyncadd.s32 $0xFFFFE700  }
0x8b: {  	[bflag:$0x0] =	sbarrier.arrive $0xFFFF  }
0x8c: {  	s8 =	rddreg [dreg:$0x8]  }
0x8d: {  	[hbm:s8], [sflag:s17] =	dma.local [spmem:s18], $0x30D4  }
0x8e: {  	_ =	swait.ge [sflag:s19], $0x30D4  }
0x8f: {  	s13 =	smov.u32 s17;
	s10 =	sadd.s32 $0x1, s10;
	s17 =	rddreg [dreg:$0x9]  }
0x90: {  	p0 =	sne.s32 s10, s17  }
.Ltmp1:
0x91: {  	_ = 	snop;
	(pc) =	sbr.rel @p0 .LBB2_1-.Ltmp1, $3  }
0x92: {  	_ =	sdelay $0x1  }
0x93: {  	[sflag:s19] =	ssyncset.done $0x0  }
0x94: {  	[sflag:s19] =	ssyncadd.s32 $0xFFFFCF2C  }
0x95: {  	_ =	sfence.sel $0x180000  }
0x96: {  	[bflag:$0x0] =	sbarrier.arrive $0xFFFF  }
0x97: {  	_ =	strace $0x9000004D  }
0x98: {  	s0 =	stileid.u32;
	[bflag:$0x2] =	sbarrier.arrive $0xFFFF  }
0x99: {  	p0 =	sne.s32 s0, $0x0;
	s0 =	rddreg [dreg:$0x2]  }
0x9a: {  	s0 =	sadd.s32 @!p0 $0x100000, s0  }
0x9b: {  	[sflag:s0] =	ssyncadd.tile.s32 @!p0 $0x1;
	_ =	shalt  }
.Lfunc_end2:
_tile_overlayer_lowered:
.L_overlay_start_2:
0x9c: {  	(tag) =	ssettag $0x2  }
0x9d: {  	s0 =	rddreg [dreg:$0x0];
	s2 =	stileid.u32  }
0x9e: {  	s1 =	rddreg [dreg:$0x1];
	p0 =	sne.s32 s2, $0x0  }
0x9f: {  	s3 =	rddreg [dreg:$0x2];
	[bflag:$0x3] =	sbarrier.arrive $0xFFFF;
	s2 =	simm.s32 @!p0 $0x1C09  }
0xa0: {  	[timem:s3], [sflag:s2] =	dma.local @!p0 [hbm:s0], s1  }
0xa1: {  	s0 =	simm.s32 @!p0 $0x9  }
0xa2: {  	_ =	swait.ge @!p0 [sflag:s0], s1  }
0xa3: {  	s1 =	ssub.s32 @!p0 $0x0, s1;
	[sflag:s0] =	ssyncset.done @!p0 $0x0  }
0xa4: {  	[sflag:s0] =	ssyncadd.s32 @!p0 s1  }
0xa5: {  	[bflag:$0x3] =	sbarrier.arrive $0xFFFF  }
0xa6: {  	_ =	shalt  }

// kernel: kernel.8.cloned.1.call-start
scs
__scs_entry_jumppad:
0x0: {  	(pc) =	sbr.rel $0x88, $3  }
0x1: {  	(tag) =	ssettag $0x0;
	lr =	simm.s32 $0x1  }
0x2: {  	[smem:$0x3F95] =	sst lr;
	_ =	strace $0xD0000000  }
0x3: {  	_ = 	snop  }
0x4: {  	_ = 	snop  }
0x5: {  	_ = 	snop  }
0x6: {  	_ = 	snop  }
0x7: {  	_ = 	snop  }
__scs_overlays_trampoline_lowered:
0x8: {  	[smem:$0x3FA4] =	sst s0  }
0x9: {  	[smem:$0x3FA5] =	sst s1  }
0xa: {  	[smem:$0x3FA6] =	sst s2  }
0xb: {  	[smem:$0x3FA7] =	sst s3  }
0xc: {  	[smem:$0x3FA8] =	sst s4  }
0xd: {  	[smem:$0x3FA9] =	sst s5  }
0xe: {  	[smem:$0x3FAA] =	sst s6  }
0xf: {  	[smem:$0x3FAB] =	sst s7  }
0x10: {  	[smem:$0x3FAC] =	sst s8  }
0x11: {  	[smem:$0x3FAD] =	sst s9;
	s0 =	simm.s32 @!p0 $0x0  }
0x12: {  	s1 =	sld [smem:$0x3F93];
	s0 =	simm.s32 @p0 $0x1  }
0x13: {  	[smem:$0x3FAE] =	sst s0;
	s0 =	simm.s32 @!p1 $0x0  }
0x14: {  	s2 =	sld [smem:$0x3F92];
	s0 =	simm.s32 @p1 $0x1  }
0x15: {  	[smem:$0x3FAF] =	sst s0;
	s0 =	simm.s32 @!p2 $0x0  }
0x16: {  	s3 =	sld [smem:$0x3FDB];
	s0 =	simm.s32 @p2 $0x1  }
0x17: {  	s4 =	simm.s32 $0x1BF5;
	[smem:$0x3FB1] =	sst s0  }
0x18: {  	s0 =	sld [smem:$0x3F94];
	_ =	swait.ge [sflag:s4], $0x0  }
0x19: {  	s7 =	sld [smem:$0x3F95]  }
0x1a: {  	s8 =	sadd.s32 $0xFFFFE003, lr  }
0x1b: {  	s9 =	sadd.s32 $0xFFFFFEF7, lr;
	s5 =	simm.s32 $0xFFFFFFFF;
	p2 =	slt.u32 s8, $0xFFFFF086  }
0x1c: {  	p1 =	slt.u32 s9, $0xF7A;
	s5 =	simm.s32 @!p2 $0x0  }
0x1d: {  	s5 =	simm.s32 @p1 $0x1;
	p0 =	seq.s32 s7, s2  }
0x1e: {  	s7 =	smul.u32 @!p0 $0xF7A, s2;
	p2 =	seq.s32 @!p0 s5, $0x0  }
0x1f: {  	s9 =	smul.u32 $0xF7A, s1;
	s8 =	simm.s32 @!p0 $0x1BF5;
	p2 =	por !p2, p0  }
0x20: {  	[sflag:s8] =	ssyncset.s32 @!p0 $0xFFFFF086;
	s6 =	sadd.s32 @!p0 s3, s7;
	s7 =	simm.s32 @!p0 $0x108  }
0x21: {  	s3 =	sadd.s32 s3, s9;
	s6 =	sadd.s32 @!p0 $0x88, s6;
	s7 =	simm.s32 @p2 $0x1082  }
0x22: {  	[simem:s7], [sflag:s8] =	dma.local @!p0 [hbm:s6], $0xF7A  }
0x23: {  	s9 =	sor.u32 $0xD0000000, s2;
	s6 =	simm.s32 $0x108;
	_ =	swait.ge @!p0 [sflag:s8], $0x0  }
0x24: {  	s3 =	sadd.s32 $0x88, s3;
	s6 =	simm.s32 @!p1 $0x1082;
	[sflag:s4] =	ssyncset.s32 $0xFFFFF086  }
0x25: {  	[simem:s6], [sflag:s4] =	dma.local [hbm:s3], $0xF7A  }
0x26: {  	[smem:$0x3F95] =	sst s1;
	(tag) =	ssettag s2;
	_ =	strace s9  }
0x27: {  	s1 =	sld [smem:$0x3FA5]  }
0x28: {  	s2 =	sld [smem:$0x3FA6]  }
0x29: {  	s4 =	sld [smem:$0x3FA8]  }
0x2a: {  	p0 =	seq.s32 s5, $0x0;
	s5 =	sld [smem:$0x3FA9]  }
0x2b: {  	s6 =	sld [smem:$0x3FAA]  }
0x2c: {  	s7 =	sld [smem:$0x3FAB]  }
0x2d: {  	s3 =	simm.s32 $0x108;
	s8 =	sld [smem:$0x3FAC]  }
0x2e: {  	s3 =	simm.s32 @!p0 $0x1082;
	s9 =	sld [smem:$0x3FAD]  }
0x2f: {  	lr =	sadd.s32 s0, s3;
	s0 =	sld [smem:$0x3FA4]  }
0x30: {  	s3 =	sld [smem:$0x3FA7]  }
0x31: {  	[smem:$0x3FB0] =	sst s10  }
0x32: {  	s10 =	sld [smem:$0x3FAE];
	_ =	sdelay $0x3  }
0x33: {  	p0 =	seq.s32 s10, $0x1;
	s10 =	sld [smem:$0x3FB0];
	_ =	sdelay $0x3  }
0x34: {  	[smem:$0x3FB0] =	sst s10  }
0x35: {  	s10 =	sld [smem:$0x3FAF];
	_ =	sdelay $0x3  }
0x36: {  	p1 =	seq.s32 s10, $0x1;
	s10 =	sld [smem:$0x3FB0];
	_ =	sdelay $0x3  }
0x37: {  	[smem:$0x3FB0] =	sst s10  }
0x38: {  	s10 =	sld [smem:$0x3FB1]  }
0x39: {  	_ = 	snop;
	(pc) =	sbr.ind lr, $3  }
0x3a: {  	_ = 	snop  }
0x3b: {  	_ = 	snop  }
0x3c: {  	p2 =	seq.s32 s10, $0x1;
	s10 =	sld [smem:$0x3FB0]  }
0x3d: {  	_ =	shalt  }
0x3e: {  	_ =	shalt  }
0x3f: {  	_ =	shalt  }
0x40: {  	_ =	shalt  }
0x41: {  	_ =	shalt  }
0x42: {  	_ =	shalt  }
0x43: {  	_ =	shalt  }
0x44: {  	_ =	shalt  }
0x45: {  	_ =	shalt  }
0x46: {  	_ =	shalt  }
0x47: {  	_ =	shalt  }
0x48: {  	_ =	shalt  }
0x49: {  	_ =	shalt  }
0x4a: {  	_ =	shalt  }
0x4b: {  	_ =	shalt  }
0x4c: {  	_ =	shalt  }
0x4d: {  	_ =	shalt  }
0x4e: {  	_ =	shalt  }
0x4f: {  	_ =	shalt  }
0x50: {  	_ =	shalt  }
0x51: {  	_ =	shalt  }
0x52: {  	_ =	shalt  }
0x53: {  	_ =	shalt  }
0x54: {  	_ =	shalt  }
0x55: {  	_ =	shalt  }
0x56: {  	_ =	shalt  }
0x57: {  	_ =	shalt  }
0x58: {  	_ =	shalt  }
0x59: {  	_ =	shalt  }
0x5a: {  	_ =	shalt  }
0x5b: {  	_ =	shalt  }
0x5c: {  	_ =	shalt  }
0x5d: {  	_ =	shalt  }
0x5e: {  	_ =	shalt  }
0x5f: {  	_ =	shalt  }
0x60: {  	_ =	shalt  }
0x61: {  	_ =	shalt  }
0x62: {  	_ =	shalt  }
0x63: {  	_ =	shalt  }
0x64: {  	_ =	shalt  }
0x65: {  	_ =	shalt  }
0x66: {  	_ =	shalt  }
0x67: {  	_ =	shalt  }
0x68: {  	_ =	shalt  }
0x69: {  	_ =	shalt  }
0x6a: {  	_ =	shalt  }
0x6b: {  	_ =	shalt  }
0x6c: {  	_ =	shalt  }
0x6d: {  	_ =	shalt  }
0x6e: {  	_ =	shalt  }
0x6f: {  	_ =	shalt  }
0x70: {  	_ =	shalt  }
0x71: {  	_ =	shalt  }
0x72: {  	_ =	shalt  }
0x73: {  	_ =	shalt  }
0x74: {  	_ =	shalt  }
0x75: {  	_ =	shalt  }
0x76: {  	_ =	shalt  }
0x77: {  	_ =	shalt  }
0x78: {  	_ =	shalt  }
0x79: {  	_ =	shalt  }
0x7a: {  	_ =	shalt  }
0x7b: {  	_ =	shalt  }
0x7c: {  	_ =	shalt  }
0x7d: {  	_ =	shalt  }
0x7e: {  	_ =	shalt  }
0x7f: {  	_ =	shalt  }
0x80: {  	_ =	shalt  }
0x81: {  	_ =	shalt  }
0x82: {  	_ =	shalt  }
0x83: {  	_ =	shalt  }
0x84: {  	_ =	shalt  }
0x85: {  	_ =	shalt  }
0x86: {  	_ =	shalt  }
0x87: {  	_ =	shalt  }
.Lfunc_end0:
.L_simem_size_0:
called_computation_lowered:
.L_overlay_start_0:
0x88: {  	s2 =	sld [smem:$0x3FD9]  }
0x89: {  	s3 =	sld [smem:$0x3FFE];
	_ =	sdelay $0x1  }
0x8a: {  	s1 =	srdreg.scid  }
0x8b: {  	s0 =	sand.u32 $0x1, s1  }
0x8c: {  	s14 =	sshll.u32 s0, $0xA;
	s2 =	sadd.s32 s3, s2  }
0x8d: {  	s2 =	sadd.s32 s2, s14  }
0x8e: {  	[smem:$0x3FBC] =	sst s2  }
0x8f: {  	_ = 	snop  }
0x90: {  	s2 =	sld [smem:$0x3FD0];
	_ =	sdelay $0x2  }
0x91: {  	s15 =	simm.s32 $0xA;
	s4 =	simm.s32 $0x10  }
0x92: {  	[smem:s4], [sflag:s15] =	dma.local [hbm:s2], $0x1  }
0x93: {  	_ =	swait.eq [sflag:s15], $0x1  }
0x94: {  	[sflag:s15] =	ssyncset.done $0x0  }
0x95: {  	[sflag:s15] =	ssyncadd.s32 $0xFFFFFFFF  }
0x96: {  	s16 =	sld [smem:$0x11];
	(tm) =	ssettm $0x1  }
0x97: {  	s17 =	sld [smem:$0x3FFB];
	_ =	sdelay $0x3  }
0x98: {  	_ =	strace s17  }
0x99: {  	s3 =	sld [smem:$0x3FFC];
	_ =	sdelay $0x3  }
0x9a: {  	_ =	strace s3  }
0x9b: {  	s3 =	sld [smem:$0x3FFD];
	_ =	sdelay $0x3  }
0x9c: {  	_ =	strace s3  }
0x9d: {  	_ =	strace $0x8FFFFFFF  }
0x9e: {  	s18 =	sld [smem:$0x3FDB];
	_ =	sdelay $0x1  }
0x9f: {  	s19 =	simm.s32 $_scs_section_size  }
0xa0: {  	s5 =	simm.s32 $_size__tile_overlayer_lowered;
	s6 =	simm.s32 $_tile_overlayer_lowered  }
0xa1: {  	s22 =	simm.s32 $0x1BFF;
	s21 =	sshll.u32 s6, $0x1;
	s3 =	sadd.s32 s19, s18  }
0xa2: {  	s7 =	simm.s32 $0x0;
	s20 =	sshll.u32 s5, $0x1;
	s5 =	sadd.s32 s21, s3  }
0xa3: {  	[timem:s7], [sflag:s22] =	dma.local [hbm:s5], s20  }
0xa4: {  	_ =	swait.ge [sflag:s22], s20  }
0xa5: {  	s4 =	ssub.s32 $0x0, s20;
	[sflag:s22] =	ssyncset.done $0x0  }
0xa6: {  	[sflag:s22] =	ssyncadd.s32 s4;
	_ =	sdelay $0x1  }
0xa7: {  	s23 =	simm.s32 $0x1B8B  }
0xa8: {  	_ =	swait.ge [sflag:s23], $0x1  }
0xa9: {  	[sflag:s23] =	ssyncset.done $0x0  }
0xaa: {  	s25 =	simm.s32 $0x1B8E;
	s24 =	sld [smem:$0x3FFE];
	[sflag:s23] =	ssyncadd.s32 $0xFFFFFFFF  }
0xab: {  	s26 =	simm.s32 $execute0_lowered;
	[smem:$0x3FD2] =	sst s25  }
0xac: {  	s5 =	sshll.u32 s26, $0x1;
	_ =	strace $0x80000046;
	[dreg:$0x1] =	wrdreg $0xFFFFFFFF  }
0xad: {  	s28 =	simm.s32 $_size_execute0_lowered;
	s3 =	sadd.s32 s3, s5;
	[dreg:$0x0] =	wrdreg $0x0  }
0xae: {  	s5 =	sshll.u32 s28, $0x1;
	[dreg:$0x2] =	wrdreg s3  }
0xaf: {  	[dreg:$0x3] =	wrdreg s5  }
0xb0: {  	[dreg:$0x4] =	wrdreg $0xC0  }
0xb1: {  	_ =	task [dreg:s7], $0x5FFFF  }
0xb2: {  	[dreg:$0x1] =	wrdreg $0xFFFFFFFF  }
0xb3: {  	[dreg:$0x0] =	wrdreg $0x60  }
0xb4: {  	[dreg:$0x2] =	wrdreg s24  }
0xb5: {  	[dreg:$0x3] =	wrdreg s16  }
0xb6: {  	[dreg:$0x4] =	wrdreg $0x0  }
0xb7: {  	[dreg:$0x5] =	wrdreg $0x9  }
0xb8: {  	_ =	task.clear_ibuf [dreg:s7], $0x6FFFF;
	_ =	strace $0x90000046  }
0xb9: {  	s29 =	simm.s32 $0x9;
	_ =	strace $0x80000048  }
0xba: {  	_ =	swait.ge [sflag:s29], $0x1  }
0xbb: {  	[sflag:s29] =	ssyncadd.s32 $0xFFFFFFFF  }
0xbc: {  	_ =	strace $0x90000048  }
0xbd: {  	_ =	sfence  }
0xbe: {  	s30 =	sld [smem:$0x0];
	_ =	sdelay $0x2  }
0xbf: {  	s31 =	sshll.u32 s1, $0xD;
	s1 =	sshrl.u32 s1, $0x2  }
0xc0: {  	s3 =	sand.u32 $0x4000, s31;
	s1 =	sadd.s32 s1, s30  }
0xc1: {  	s0 =	sor.u32 s3, s0;
	s1 =	sshll.u32 s1, $0x11  }
0xc2: {  	s0 =	sor.u32 s1, s0  }
0xc3: {  	s0 =	sadd.s32 $0x8F2B, s0  }
0xc4: {  	[sflag:s0] =	ssyncadd.remote.s32 $0x1  }
0xc5: {  	_ =	sfence.sel $0xFFFF  }
0xc6: {  	[dreg:$0x0] =	wrdreg $0xFFFFFFFF;
	(pc) =	sbr.abs _section_cstart, $3  }
0xc7: {  	[dreg:$0x1] =	wrdreg $0xFFFFFFFF  }
0xc8: {  	_ =	task.clear_ibuf [dreg:s7], $0x2FFFF;
	_ =	strace $0x9FFFFFFF  }
0xc9: {  	(tm) =	ssettm $0x7FFFFFFF  }
tec
execute0_lowered:
.L_overlay_start_1:
0x0: {  	(tag) =	ssettag $0x1  }
0x1: {  	s6 =	rddreg [dreg:$0x0]  }
0x2: {  	s2 =	rddreg [dreg:$0x1]  }
0x3: {  	s3 =	rddreg [dreg:$0x2]  }
0x4: {  	s0 =	rddreg [dreg:$0x3];
	s1 =	stileid.u32  }
0x5: {  	s5 =	srdreg.scid;
	s4 =	simm.s32 $0x0;
	s14 =	simm.s32 $0x5  }
0x6: {  	s17 =	simm.s32 $0xC350;
	s18 =	simm.s32 $0xC738;
	s19 =	simm.s32 $0x1  }
0x7: {  	s20 =	simm.s32 $0x3E8;
	s21 =	simm.s32 $0x2;
	s22 =	simm.s32 $0x3  }
0x8: {  	s23 =	simm.s32 $0x4;
	s7 =	smul.u32 $0xC350, s1;
	s8 =	sand.u32 $0x1, s5  }
0x9: {  	[smem:$0x7FF] =	sst s4;
	s5 =	sadd.s32 $0x31E00, s6;
	s15 =	sshll.u32 s1, $0x6  }
0xa: {  	s9 =	smul.u32 $0xC3500, s8;
	_ =	strace $0x80000047;
	s10 =	sshll.u32 s8, $0x4  }
0xb: {  	s8 =	ssub.s32 $0x2, s8;
	s15 =	sor.u32 $0x1C05, s15;
	s11 =	sshrl.u32 s7, $0x3  }
0xc: {  	s24 =	sor.u32 s1, s10;
	s26 =	sshrl.u32 s8, $0x1;
	s16 =	sadd.s32 s7, s3  }
0xd: {  	s12 =	sadd.s32 s7, s9;
	s9 =	smul.u32 $0xC350, s24;
	s11 =	sadd.s32 s11, s6  }
0xe: {  	s13 =	ssub.s32 s8, s26;
	s16 =	sshrl.u32 s16, $0x3;
	s24 =	simm.s32 $0x0  }
0xf: {  	s25 =	sshrl.u32 s12, $0x3;
	s31 =	sadd.s32 $0xBB8, s12;
	s12 =	sadd.s32 $0x7D0, s12  }
0x10: {  	s10 =	sadd.s32 s25, s6;
	s28 =	sadd.s32 $0x3E8, s9;
	s6 =	sadd.s32 $0x62C00, s11  }
0x11: {  	s29 =	sshrl.u32 s9, $0x3;
	s11 =	sshrl.u32 s31, $0x3;
	s30 =	sshrl.u32 s28, $0x3  }
0x12: {  	s7 =	sadd.s32 s5, s29;
	s9 =	sadd.s32 $0x7B400, s10;
	s10 =	smax.u32 s13, $0x1  }
0x13: {  	s11 =	sadd.s32 s11, s5;
	s13 =	simm.s32 $0xCB20;
	s8 =	sadd.s32 s5, s30  }
.LBB2_1:
0x14: {  	[tilespmem:s13], [sflag:$0x5] =	stream.linear.gather [hbm4b:s2+s4], $0x3E80, $0x38;
	[tilespmem:$0x109A0] =	vst v63  }
0x15: {  	_ =	swait.ge [sflag:s14], $0x3E80  }
0x16: {  	[sflag:s14] =	ssyncset.done $0x0  }
0x17: {  	[sflag:s14] =	ssyncadd.s32 $0xFFFFC180  }
0x18: {  	[spmem:s16], [sflag:s15] =	dma.local [hbm:s6], $0x186A  }
0x19: {  	_ =	swait.ge [sflag:s14], $0x186A  }
0x1a: {  	[sflag:s14] =	ssyncset.done $0x0  }
0x1b: {  	[sflag:s14] =	ssyncadd.s32 $0xFFFFE796  }
0x1c: {  	[bflag:$0x0] =	sbarrier.arrive $0xFFFF  }
0x1d: {  	[tilespmem:s17], [sflag:$0x1] =	stream.linear.gather [hbm4b:s7+s4], $0x3E8, $0x38;
	[tilespmem:$0x109A0] =	vst v63  }
0x1e: {  	_ = 	snop  }
0x1f: {  	[tilespmem:s18], [sflag:$0x2] =	stream.linear.gather [hbm4b:s8+s4], $0x3E8, $0x38;
	[tilespmem:$0x109A0] =	vst v63  }
0x20: {  	_ =	swait.ge [sflag:s19], $0x3E8  }
0x21: {  	[sflag:s19] =	ssyncset.done $0x0  }
0x22: {  	[sflag:s19] =	ssyncadd.s32 $0xFFFFFC18  }
0x23: {  	[spmem:s3] =	stream.indirect.scatter.add.f32 [tilespmem:s13], [sflag:$0x3], $0x10, s17, s20, $0xb8;
	[tilespmem:$0x109A0] =	vst v63  }
0x24: {  	_ =	swait.ge [sflag:s21], $0x3E8  }
0x25: {  	[sflag:s21] =	ssyncset.done $0x0  }
0x26: {  	[sflag:s21] =	ssyncadd.s32 $0xFFFFFC18  }
0x27: {  	[spmem:s3] =	stream.indirect.scatter.add.f32 [tilespmem:s13], [sflag:$0x4], $0x10, s18, s20, $0xb8;
	[tilespmem:$0x109A0] =	vst v63  }
0x28: {  	_ =	swait.ge [sflag:s22], $0x3E80  }
0x29: {  	[sflag:s22] =	ssyncset.done $0x0  }
0x2a: {  	[sflag:s22] =	ssyncadd.s32 $0xFFFFC180  }
0x2b: {  	_ =	swait.ge [sflag:s23], $0x3E80  }
0x2c: {  	s25 =	sshrl.u32 s12, $0x3;
	[sflag:s23] =	ssyncset.done $0x0  }
0x2d: {  	s25 =	sadd.s32 s5, s25;
	[sflag:s23] =	ssyncadd.s32 $0xFFFFC180  }
0x2e: {  	[tilespmem:s17], [sflag:$0x1] =	stream.linear.gather [hbm4b:s25+s4], $0x3E8, $0x38;
	[tilespmem:$0x109A0] =	vst v63  }
0x2f: {  	s28 =	sadd.s32 $0x0, s11;
	s26 =	sadd.s32 $0x7D0, s12;
	s25 =	simm.s32 $0xFA  }
.LBB2_2:
0x30: {  	[tilespmem:s18], [sflag:$0x2] =	stream.linear.gather [hbm4b:s28+s4], $0x3E8, $0x38;
	[tilespmem:$0x109A0] =	vst v63  }
0x31: {  	s28 =	smov.u32 s25  }
0x32: {  	p0 =	sne.s32 s25, $0x1676;
	s25 =	sadd.s32 $0xFA, s25;
	_ =	swait.ge [sflag:s19], $0x3E8  }
0x33: {  	[sflag:s19] =	ssyncset.done $0x0  }
0x34: {  	[sflag:s19] =	ssyncadd.s32 $0xFFFFFC18  }
0x35: {  	[spmem:s3] =	stream.indirect.scatter.add.f32 [tilespmem:s13], [sflag:$0x3], $0x10, s17, s20, $0xb8;
	[tilespmem:$0x109A0] =	vst v63  }
0x36: {  	_ =	swait.ge [sflag:s21], $0x3E8  }
0x37: {  	[sflag:s21] =	ssyncset.done $0x0  }
0x38: {  	[sflag:s21] =	ssyncadd.s32 $0xFFFFFC18  }
0x39: {  	[spmem:s3] =	stream.indirect.scatter.add.f32 [tilespmem:s13], [sflag:$0x4], $0x10, s18, s20, $0xb8;
	[tilespmem:$0x109A0] =	vst v63  }
0x3a: {  	_ =	swait.ge [sflag:s22], $0x3E80  }
0x3b: {  	[sflag:s22] =	ssyncset.done $0x0  }
0x3c: {  	[sflag:s22] =	ssyncadd.s32 $0xFFFFC180  }
.Ltmp0:
0x3d: {  	_ =	swait.ge [sflag:s23], $0x3E80;
	(pc) =	sbr.rel @p0 .LBB2_2-.Ltmp0, $4  }
0x3e: {  	s29 =	sshrl.u32 s26, $0x3;
	[sflag:s23] =	ssyncset.done $0x0  }
0x3f: {  	s29 =	sadd.s32 s5, s29;
	[sflag:s23] =	ssyncadd.s32 $0xFFFFC180  }
0x40: {  	[tilespmem:s17], [sflag:$0x1] =	stream.linear.gather [hbm4b:s29+s4], $0x3E8, $0x38;
	[tilespmem:$0x109A0] =	vst v63  }
0x41: {  	s26 =	sadd.s32 $0x7D0, s26;
	s28 =	sadd.s32 s28, s11  }
0x42: {  	[tilespmem:s18], [sflag:$0x2] =	stream.linear.gather [hbm4b:s28+s4], $0x3E8, $0x38;
	[tilespmem:$0x109A0] =	vst v63  }
0x43: {  	_ =	swait.ge [sflag:s19], $0x3E8  }
0x44: {  	[sflag:s19] =	ssyncset.done $0x0  }
0x45: {  	[sflag:s19] =	ssyncadd.s32 $0xFFFFFC18  }
0x46: {  	[spmem:s3] =	stream.indirect.scatter.add.f32 [tilespmem:s13], [sflag:$0x3], $0x10, s17, s20, $0xb8;
	[tilespmem:$0x109A0] =	vst v63  }
0x47: {  	_ =	swait.ge [sflag:s21], $0x3E8  }
0x48: {  	[sflag:s21] =	ssyncset.done $0x0  }
0x49: {  	[sflag:s21] =	ssyncadd.s32 $0xFFFFFC18  }
0x4a: {  	[spmem:s3] =	stream.indirect.scatter.add.f32 [tilespmem:s13], [sflag:$0x4], $0x10, s18, s20, $0xb8;
	[tilespmem:$0x109A0] =	vst v63  }
0x4b: {  	_ =	swait.ge [sflag:s22], $0x3E80  }
0x4c: {  	[sflag:s22] =	ssyncset.done $0x0  }
0x4d: {  	[sflag:s22] =	ssyncadd.s32 $0xFFFFC180  }
0x4e: {  	_ =	swait.ge [sflag:s23], $0x3E80  }
0x4f: {  	s24 =	sadd.s32 $0x1, s24;
	[sflag:s23] =	ssyncset.done $0x0  }
0x50: {  	p0 =	sne.s32 s24, s10;
	[sflag:s23] =	ssyncadd.s32 $0xFFFFC180  }
.Ltmp1:
0x51: {  	[bflag:$0x0] =	sbarrier.arrive $0xFFFF;
	(pc) =	sbr.rel @p0 .LBB2_1-.Ltmp1, $4  }
0x52: {  	[hbm:s9], [sflag:s15] =	dma.local [spmem:s16], $0x186A  }
0x53: {  	_ =	swait.ge [sflag:s14], $0x186A  }
0x54: {  	[sflag:s14] =	ssyncset.done $0x0  }
0x55: {  	[sflag:s14] =	ssyncadd.s32 $0xFFFFE796  }
0x56: {  	_ =	sfence.sel $0x180000  }
0x57: {  	[bflag:$0x0] =	sbarrier.arrive $0xFFFF  }
0x58: {  	p0 =	sne.s32 s1, $0x0;
	_ =	strace $0x90000047  }
0x59: {  	s0 =	sadd.s32 @!p0 $0x100000, s0;
	[bflag:$0x2] =	sbarrier.arrive $0xFFFF  }
0x5a: {  	[sflag:s0] =	ssyncadd.tile.s32 @!p0 $0x1;
	_ =	shalt  }
.Lfunc_end2:
_tile_overlayer_lowered:
.L_overlay_start_2:
0x5b: {  	(tag) =	ssettag $0x2  }
0x5c: {  	s0 =	rddreg [dreg:$0x0];
	s2 =	stileid.u32  }
0x5d: {  	s1 =	rddreg [dreg:$0x1];
	p0 =	sne.s32 s2, $0x0  }
0x5e: {  	s3 =	rddreg [dreg:$0x2];
	[bflag:$0x3] =	sbarrier.arrive $0xFFFF;
	s2 =	simm.s32 @!p0 $0x1C05  }
0x5f: {  	[timem:s3], [sflag:s2] =	dma.local @!p0 [hbm:s0], s1  }
0x60: {  	s0 =	simm.s32 @!p0 $0x5  }
0x61: {  	_ =	swait.ge @!p0 [sflag:s0], s1  }
0x62: {  	s1 =	ssub.s32 @!p0 $0x0, s1;
	[sflag:s0] =	ssyncset.done @!p0 $0x0  }
0x63: {  	[sflag:s0] =	ssyncadd.s32 @!p0 s1  }
0x64: {  	[bflag:$0x3] =	sbarrier.arrive $0xFFFF  }
0x65: {  	_ =	shalt  }

</sc_bundles>
